<compile_context>
chip_gen: v7x
topology: tpu7x:2x2x1
jax: 0.10.2.dev20260603
libtpu: 0.0.44.dev20260713+nightly
codegen_flags: <defaults>
</compile_context>

<pallas_src>
import functools

import jax
import jax.numpy as jnp
from jax import lax
from jax.experimental import pallas as pl
from jax.experimental.pallas import tpu as pltpu
from jax.experimental.pallas import tpu_sc as plsc

BT = 128
BTE = BT + 8
NC = 2
NS = 16
NW = NC * NS
CH = 64


def _gate_body(x_ref, wg_ref, idx_ref, w_ref):
    logits = jnp.dot(x_ref[...], wg_ref[...], preferred_element_type=jnp.float32)
    m = jnp.max(logits, axis=1, keepdims=True)
    s = jnp.sum(jnp.exp(logits - m), axis=1, keepdims=True)
    w_ref[...] = 1.0 / s
    ncol = logits.shape[1]
    col = lax.broadcasted_iota(jnp.int32, logits.shape, 1)
    idx_ref[...] = jnp.min(jnp.where(logits >= m, col, ncol), axis=1, keepdims=True)


def _ffn_body(beff_ref, te_ref, xsrc, ws_src, w1a_ref, w1b_ref,
              b1a_ref, b1b_ref, w2a_ref, w2b_ref, b2_ref, out_ref,
              xbuf, wsbuf, xsem, wsem):
    t = pl.program_id(0)
    nt = pl.num_programs(0)

    def copies(tt, slot):
        base = pl.multiple_of(beff_ref[tt], 8)
        return (
            pltpu.make_async_copy(xsrc.at[pl.ds(base, BTE), :],
                                  xbuf.at[slot], xsem.at[slot]),
            pltpu.make_async_copy(ws_src.at[pl.ds(base, BTE), :],
                                  wsbuf.at[slot], wsem.at[slot]),
        )

    @pl.when(t == 0)
    def _():
        for c in copies(0, 0):
            c.start()

    @pl.when(t + 1 < nt)
    def _():
        for c in copies(jnp.minimum(t + 1, nt - 1), (t + 1) % 2):
            c.start()

    for c in copies(t, t % 2):
        c.wait()

    xs = xbuf[t % 2]
    ha = jnp.maximum(
        jnp.dot(xs, w1a_ref[0], preferred_element_type=jnp.float32)
        + b1a_ref[0], 0.0)
    hb = jnp.maximum(
        jnp.dot(xs, w1b_ref[0], preferred_element_type=jnp.float32)
        + b1b_ref[0], 0.0)
    o = (jnp.dot(ha, w2a_ref[0], preferred_element_type=jnp.float32)
         + jnp.dot(hb, w2b_ref[0], preferred_element_type=jnp.float32))
    out_ref[...] = (o + b2_ref[0]) * wsbuf[t % 2]


def _route(idx, T, E, NTMAX):
    i32 = jnp.int32
    q = jnp.arange(T, dtype=i32)
    eq, order = lax.sort_key_val(idx.astype(i32), q)
    newseg = jnp.concatenate(
        [jnp.ones((1,), jnp.bool_), eq[1:] != eq[:-1]])
    segstart = lax.cummax(jnp.where(newseg, q, 0))
    off = q - segstart
    tq = jnp.cumsum(((off % BT) == 0).astype(i32)) - 1
    orig_q = q - (off % BT)
    beff_q = jnp.minimum(orig_q & ~7, T - BTE).astype(i32)
    src_row = (tq * BTE + (q - beff_q)).astype(i32)

    last_e = eq[T - 1]
    n_tiles = tq[T - 1] + 1
    pack = jnp.full((NTMAX,), last_e, i32).at[tq].set(beff_q * E + eq)
    te = pack % E
    beff = pack // E
    return order, te, n_tiles, beff, src_row


def _sc_gather(table, idx3, R, D):
    b_per_w = R // NW
    nch = b_per_w // CH
    mesh = plsc.VectorSubcoreMesh(core_axis_name="c", subcore_axis_name="s")

    @functools.partial(
        pl.kernel,
        out_type=jax.ShapeDtypeStruct((R, D), jnp.float32),
        mesh=mesh,
        scratch_types=[
            pltpu.VMEM((nch, CH), jnp.int32),
            pltpu.VMEM((CH, D), jnp.float32),
            pltpu.VMEM((CH, D), jnp.float32),
            pltpu.SemaphoreType.DMA,
            pltpu.SemaphoreType.DMA,
            pltpu.SemaphoreType.DMA,
            pltpu.SemaphoreType.DMA,
        ],
    )
    def k(table_hbm, idx_hbm, out_hbm, idx_v, buf_a, buf_b, ga, gb, oa, ob):
        wid = lax.axis_index("s") * NC + lax.axis_index("c")
        base = wid * b_per_w
        pltpu.sync_copy(idx_hbm.at[wid], idx_v)
        bufs = [(buf_a, ga, oa), (buf_b, gb, ob)]
        gh = pltpu.async_copy(table_hbm.at[idx_v.at[0]], buf_a, ga)
        oh = None
        for j in range(nch):
            buf, _, osem = bufs[j % 2]
            gh.wait()
            if oh is not None:
                oh.wait()
            if j + 1 < nch:
                nbuf, ngsem, _ = bufs[(j + 1) % 2]
                gh = pltpu.async_copy(table_hbm.at[idx_v.at[j + 1]], nbuf, ngsem)
            oh = pltpu.async_copy(buf, out_hbm.at[pl.ds(base + j * CH, CH)], osem)
        oh.wait()

    return k(table, idx3)


def _sc_scatter(src, sidx3, didx3, R, D):
    b_per_w = R // NW
    nch = b_per_w // CH
    mesh = plsc.VectorSubcoreMesh(core_axis_name="c", subcore_axis_name="s")

    @functools.partial(
        pl.kernel,
        out_type=jax.ShapeDtypeStruct((R, D), jnp.float32),
        mesh=mesh,
        scratch_types=[
            pltpu.VMEM((nch, CH), jnp.int32),
            pltpu.VMEM((nch, CH), jnp.int32),
            pltpu.VMEM((CH, D), jnp.float32),
            pltpu.VMEM((CH, D), jnp.float32),
            pltpu.SemaphoreType.DMA,
            pltpu.SemaphoreType.DMA,
            pltpu.SemaphoreType.DMA,
            pltpu.SemaphoreType.DMA,
        ],
    )
    def k(src_hbm, sidx_hbm, didx_hbm, out_hbm, sidx_v, didx_v,
          buf_a, buf_b, ga, gb, oa, ob):
        wid = lax.axis_index("s") * NC + lax.axis_index("c")
        pltpu.sync_copy(sidx_hbm.at[wid], sidx_v)
        pltpu.sync_copy(didx_hbm.at[wid], didx_v)
        bufs = [(buf_a, ga, oa), (buf_b, gb, ob)]
        gh = pltpu.async_copy(src_hbm.at[sidx_v.at[0]], buf_a, ga)
        oh = None
        for j in range(nch):
            buf, _, osem = bufs[j % 2]
            gh.wait()
            if oh is not None:
                oh.wait()
            if j + 1 < nch:
                nbuf, ngsem, _ = bufs[(j + 1) % 2]
                gh = pltpu.async_copy(src_hbm.at[sidx_v.at[j + 1]], nbuf, ngsem)
            oh = pltpu.async_copy(buf, out_hbm.at[didx_v.at[j]], osem)
        oh.wait()

    return k(src, sidx3, didx3)


def kernel(x, Wg, W1, b1, W2, b2):
    Bb, S, D = x.shape
    E, _, F = W1.shape
    T = Bb * S
    ntmax = T // BT + E - 1

    x_flat = x.reshape(T, D)

    idx2d, w2d = pl.pallas_call(
        _gate_body,
        out_shape=(
            jax.ShapeDtypeStruct((T, 1), jnp.int32),
            jax.ShapeDtypeStruct((T, 1), jnp.float32),
        ),
    )(x_flat, Wg)
    idx = idx2d[:, 0]

    order, te, n_tiles, beff, src_row = _route(idx, T, E, ntmax)

    xs = _sc_gather(x_flat, order.reshape(NW, -1, CH), T, D)
    ws_sorted = w2d[order]

    grid_spec = pltpu.PrefetchScalarGridSpec(
        num_scalar_prefetch=2,
        grid=(n_tiles,),
        in_specs=[
            pl.BlockSpec(memory_space=pl.ANY),
            pl.BlockSpec(memory_space=pl.ANY),
            pl.BlockSpec((1, D, F // 2), lambda i, be, te_r: (te_r[i], 0, 0)),
            pl.BlockSpec((1, D, F // 2), lambda i, be, te_r: (te_r[i], 0, 1)),
            pl.BlockSpec((1, 1, F // 2), lambda i, be, te_r: (te_r[i], 0, 0)),
            pl.BlockSpec((1, 1, F // 2), lambda i, be, te_r: (te_r[i], 0, 1)),
            pl.BlockSpec((1, F // 2, D), lambda i, be, te_r: (te_r[i], 0, 0)),
            pl.BlockSpec((1, F // 2, D), lambda i, be, te_r: (te_r[i], 1, 0)),
            pl.BlockSpec((1, 1, D), lambda i, be, te_r: (te_r[i], 0, 0)),
        ],
        out_specs=pl.BlockSpec((BTE, D), lambda i, be, te_r: (i, 0)),
        scratch_shapes=[
            pltpu.VMEM((2, BTE, D), jnp.float32),
            pltpu.VMEM((2, BTE, 1), jnp.float32),
            pltpu.SemaphoreType.DMA((2,)),
            pltpu.SemaphoreType.DMA((2,)),
        ],
    )
    ffn_out = pl.pallas_call(
        _ffn_body,
        grid_spec=grid_spec,
        out_shape=jax.ShapeDtypeStruct((ntmax * BTE, D), jnp.float32),
        compiler_params=pltpu.CompilerParams(
            dimension_semantics=("arbitrary",),
        ),
    )(beff, te, xs, ws_sorted, W1, W1, b1.reshape(E, 1, F),
      b1.reshape(E, 1, F), W2, W2, b2.reshape(E, 1, D))

    out = _sc_scatter(ffn_out, src_row.reshape(NW, -1, CH),
                      order.reshape(NW, -1, CH), T, D)
    return out.reshape(Bb, S, D)

# --- scband reference (transcript-rebuilt; emitter-appended) ---
"""Pipeline reference for scband-sparse-mo-elayer-43327630082095 (READ-ONLY COPY).

The authoritative reference and input builder live on the scoring server;
editing this copy changes nothing except your own understanding.
"""

import jax, jax.numpy as jnp
import numpy as np

D_MODEL = 768
D_FF = 2048
E = 64
TOP_K = 1
B = 2
S = 2048


def setup_inputs(seed: int = 0) -> dict:
    key = jax.random.key(seed)
    ks = jax.random.split(key, 6)
    s_in = 1.0 / np.sqrt(D_MODEL)
    s_ff = 1.0 / np.sqrt(D_FF)
    return {
        "x": jax.random.normal(ks[0], (B, S, D_MODEL), dtype=jnp.float32),
        "Wg": jax.random.normal(ks[1], (D_MODEL, E), dtype=jnp.float32) * s_in,
        "W1": jax.random.normal(ks[2], (E, D_MODEL, D_FF), dtype=jnp.float32) * s_in,
        "b1": jnp.zeros((E, D_FF), dtype=jnp.float32),
        "W2": jax.random.normal(ks[3], (E, D_FF, D_MODEL), dtype=jnp.float32) * s_ff,
        "b2": jnp.zeros((E, D_MODEL), dtype=jnp.float32),
    }


def reference(x, Wg, W1, b1, W2, b2):
    # SparseMoELayer.forward: gate -> top-k route -> per-expert FFN -> weighted combine.
    # Router semantics (Switch-style, top_k=1): softmax over all experts, take prob of
    # the selected expert as the combine weight. Dropout=0.0 (eval equivalent).
    Bb, Ss, d = x.shape
    x_flat = x.reshape(-1, d)                      # (T, d_model)
    gate_logits = x_flat @ Wg                      # GatingNetwork (no bias)
    probs = jax.nn.softmax(gate_logits, axis=-1)
    top_p, top_i = jax.lax.top_k(probs, TOP_K)
    idx = top_i[:, 0]                              # selected expert per token
    w = top_p[:, 0]                                # combine weight per token
    num_experts = W1.shape[0]
    y = jnp.zeros_like(x_flat)
    for e in range(num_experts):
        h = jax.nn.relu(x_flat @ W1[e] + b1[e])    # Expert.w1 + ReLU (dropout p=0)
        o = h @ W2[e] + b2[e]                      # Expert.w2
        y = jnp.where((idx == e)[:, None], o, y)
    out = (w[:, None] * y).reshape(Bb, Ss, d)
    return out

if __name__ == "__main__":
    import jax
    _d = setup_inputs()
    print(jax.jit(kernel)(*tuple(_d.values())))

</pallas_src>

<mosaic_0001>
#map = affine_map<(d0, d1) -> (0, 0)>
#map1 = affine_map<(d0, d1) -> (0, 0, 0)>
module attributes {stable_mosaic.version = 14 : i64} {
  func.func @k(%arg0: i32, %arg1: i32, %arg2: memref<4096x768xf32, #tpu.memory_space<hbm>>, %arg3: memref<32x2x64xi32, #tpu.memory_space<hbm>>, %arg4: memref<4096x768xf32, #tpu.memory_space<hbm>>, %arg5: memref<2x64xi32, #tpu.memory_space<vmem>>, %arg6: memref<64x768xf32, #tpu.memory_space<vmem>>, %arg7: memref<64x768xf32, #tpu.memory_space<vmem>>, %arg8: memref<!tpu.dma_semaphore, #tpu.memory_space<semaphore_mem>>, %arg9: memref<!tpu.dma_semaphore, #tpu.memory_space<semaphore_mem>>, %arg10: memref<!tpu.dma_semaphore, #tpu.memory_space<semaphore_mem>>, %arg11: memref<!tpu.dma_semaphore, #tpu.memory_space<semaphore_mem>>) attributes {dimension_semantics = [#tpu.dimension_semantics<core_parallel>, #tpu.dimension_semantics<subcore_parallel>], iteration_bounds = array<i64: 2, 16>, scalar_prefetch = 0 : i64, scratch_operands = 7 : i64, tpu.core_type = #tpu.core_type<sc_vector_subcore>, window_params = [{transform_indices = #map}, {transform_indices = #map1}, {transform_indices = #map}]} {
    %mul3A = arith.constant 2 : i32
    %mul3A_0 = arith.muli %arg1, %mul3A : i32
    %add3A = arith.addi %mul3A_0, %arg0 : i32
    %mul3A_1 = arith.constant 128 : i32
    %mul3A_2 = arith.muli %add3A, %mul3A_1 : i32
    "tpu.region"() ({
      %run_scoped3A = tpu.sem_alloc : memref<!tpu.dma_semaphore, #tpu.memory_space<semaphore_mem>>
      %dma_start3A_49 = arith.constant 0 : i32
      %dma_start3A_50 = arith.constant 0 : i32
      %dma_start3A_51 = tpu.memref_slice %arg3[%add3A, %dma_start3A_49, %dma_start3A_50] : memref<32x2x64xi32, #tpu.memory_space<hbm>> -> memref<1x2x64xi32, #tpu.memory_space<hbm>>
      %dma_start3A_52 = tpu.memref_squeeze %dma_start3A_51 : memref<1x2x64xi32, #tpu.memory_space<hbm>> -> memref<2x64xi32, #tpu.memory_space<hbm>>
      %dma_start3A_53 = arith.constant 0 : i32
      %dma_start3A_54 = arith.constant 0 : i32
      %dma_start3A_55 = tpu.memref_slice %arg3[%add3A, %dma_start3A_53, %dma_start3A_54] : memref<32x2x64xi32, #tpu.memory_space<hbm>> -> memref<1x2x64xi32, #tpu.memory_space<hbm>>
      %dma_start3A_56 = tpu.memref_squeeze %dma_start3A_55 : memref<1x2x64xi32, #tpu.memory_space<hbm>> -> memref<2x64xi32, #tpu.memory_space<hbm>>
      tpu.enqueue_dma source(%dma_start3A_56 : memref<2x64xi32, #tpu.memory_space<hbm>>) target(%arg5 : memref<2x64xi32, #tpu.memory_space<vmem>>) target_semaphore(%run_scoped3A : memref<!tpu.dma_semaphore, #tpu.memory_space<semaphore_mem>>)
      %dma_wait3A_57 = arith.constant 0 : i32
      %dma_wait3A_58 = arith.constant 0 : i32
      %dma_wait3A_59 = tpu.memref_slice %arg3[%add3A, %dma_wait3A_57, %dma_wait3A_58] : memref<32x2x64xi32, #tpu.memory_space<hbm>> -> memref<1x2x64xi32, #tpu.memory_space<hbm>>
      %dma_wait3A_60 = tpu.memref_squeeze %dma_wait3A_59 : memref<1x2x64xi32, #tpu.memory_space<hbm>> -> memref<2x64xi32, #tpu.memory_space<hbm>>
      %dma_wait3A_61 = arith.constant 0 : i32
      %dma_wait3A_62 = arith.constant 0 : i32
      %dma_wait3A_63 = tpu.memref_slice %arg3[%add3A, %dma_wait3A_61, %dma_wait3A_62] : memref<32x2x64xi32, #tpu.memory_space<hbm>> -> memref<1x2x64xi32, #tpu.memory_space<hbm>>
      %dma_wait3A_64 = tpu.memref_squeeze %dma_wait3A_63 : memref<1x2x64xi32, #tpu.memory_space<hbm>> -> memref<2x64xi32, #tpu.memory_space<hbm>>
      tpu.wait_dma2 semaphore(%run_scoped3A : memref<!tpu.dma_semaphore, #tpu.memory_space<semaphore_mem>>) src(%dma_wait3A_64 : memref<2x64xi32, #tpu.memory_space<hbm>>) dst(%arg5 : memref<2x64xi32, #tpu.memory_space<vmem>>)
      tpu.yield
    }) : () -> ()
    %dma_start3A = arith.constant 0 : i32
    %dma_start3A_3 = arith.constant 0 : i32
    %dma_start3A_4 = tpu.memref_slice %arg5[%dma_start3A, %dma_start3A_3] : memref<2x64xi32, #tpu.memory_space<vmem>> -> memref<1x64xi32, #tpu.memory_space<vmem>>
    %dma_start3A_5 = tpu.memref_squeeze %dma_start3A_4 : memref<1x64xi32, #tpu.memory_space<vmem>> -> memref<64xi32, #tpu.memory_space<vmem>>
    %dma_start3A_6 = arith.constant 0 : i32
    %dma_start3A_7 = arith.constant 0 : i32
    %dma_start3A_8 = tpu.memref_slice %arg2[%dma_start3A_6, %dma_start3A_7] : memref<4096x768xf32, #tpu.memory_space<hbm>> -> memref<4096x768xf32, #tpu.memory_space<hbm>>
    tpu.enqueue_indirect_dma source(%dma_start3A_8 : memref<4096x768xf32, #tpu.memory_space<hbm>>) target(%arg6 : memref<64x768xf32, #tpu.memory_space<vmem>>) offsets(%dma_start3A_5 : memref<64xi32, #tpu.memory_space<vmem>>) semaphore(%arg8 : memref<!tpu.dma_semaphore, #tpu.memory_space<semaphore_mem>>)
    %dma_wait3A = arith.constant 0 : i32
    %dma_wait3A_9 = arith.constant 0 : i32
    %dma_wait3A_10 = tpu.memref_slice %arg5[%dma_wait3A, %dma_wait3A_9] : memref<2x64xi32, #tpu.memory_space<vmem>> -> memref<1x64xi32, #tpu.memory_space<vmem>>
    %dma_wait3A_11 = tpu.memref_squeeze %dma_wait3A_10 : memref<1x64xi32, #tpu.memory_space<vmem>> -> memref<64xi32, #tpu.memory_space<vmem>>
    %dma_wait3A_12 = arith.constant 0 : i32
    %dma_wait3A_13 = arith.constant 0 : i32
    %dma_wait3A_14 = tpu.memref_slice %arg2[%dma_wait3A_12, %dma_wait3A_13] : memref<4096x768xf32, #tpu.memory_space<hbm>> -> memref<4096x768xf32, #tpu.memory_space<hbm>>
    tpu.wait_indirect_dma semaphore(%arg8 : memref<!tpu.dma_semaphore, #tpu.memory_space<semaphore_mem>>) src(%dma_wait3A_14 : memref<4096x768xf32, #tpu.memory_space<hbm>>) dst(%arg6 : memref<64x768xf32, #tpu.memory_space<vmem>>)
    %dma_start3A_15 = arith.constant 1 : i32
    %dma_start3A_16 = arith.constant 0 : i32
    %dma_start3A_17 = tpu.memref_slice %arg5[%dma_start3A_15, %dma_start3A_16] : memref<2x64xi32, #tpu.memory_space<vmem>> -> memref<1x64xi32, #tpu.memory_space<vmem>>
    %dma_start3A_18 = tpu.memref_squeeze %dma_start3A_17 : memref<1x64xi32, #tpu.memory_space<vmem>> -> memref<64xi32, #tpu.memory_space<vmem>>
    %dma_start3A_19 = arith.constant 0 : i32
    %dma_start3A_20 = arith.constant 0 : i32
    %dma_start3A_21 = tpu.memref_slice %arg2[%dma_start3A_19, %dma_start3A_20] : memref<4096x768xf32, #tpu.memory_space<hbm>> -> memref<4096x768xf32, #tpu.memory_space<hbm>>
    tpu.enqueue_indirect_dma source(%dma_start3A_21 : memref<4096x768xf32, #tpu.memory_space<hbm>>) target(%arg7 : memref<64x768xf32, #tpu.memory_space<vmem>>) offsets(%dma_start3A_18 : memref<64xi32, #tpu.memory_space<vmem>>) semaphore(%arg9 : memref<!tpu.dma_semaphore, #tpu.memory_space<semaphore_mem>>)
    %add3A_22 = arith.constant 0 : i32
    %add3A_23 = arith.addi %mul3A_2, %add3A_22 : i32
    %dma_start3A_24 = arith.constant 0 : i32
    %dma_start3A_25 = tpu.memref_slice %arg4[%add3A_23, %dma_start3A_24] : memref<4096x768xf32, #tpu.memory_space<hbm>> -> memref<64x768xf32, #tpu.memory_space<hbm>>
    %dma_start3A_26 = arith.constant 0 : i32
    %dma_start3A_27 = tpu.memref_slice %arg4[%add3A_23, %dma_start3A_26] : memref<4096x768xf32, #tpu.memory_space<hbm>> -> memref<64x768xf32, #tpu.memory_space<hbm>>
    tpu.enqueue_dma source(%arg6 : memref<64x768xf32, #tpu.memory_space<vmem>>) target(%dma_start3A_27 : memref<64x768xf32, #tpu.memory_space<hbm>>) target_semaphore(%arg10 : memref<!tpu.dma_semaphore, #tpu.memory_space<semaphore_mem>>)
    %dma_wait3A_28 = arith.constant 1 : i32
    %dma_wait3A_29 = arith.constant 0 : i32
    %dma_wait3A_30 = tpu.memref_slice %arg5[%dma_wait3A_28, %dma_wait3A_29] : memref<2x64xi32, #tpu.memory_space<vmem>> -> memref<1x64xi32, #tpu.memory_space<vmem>>
    %dma_wait3A_31 = tpu.memref_squeeze %dma_wait3A_30 : memref<1x64xi32, #tpu.memory_space<vmem>> -> memref<64xi32, #tpu.memory_space<vmem>>
    %dma_wait3A_32 = arith.constant 0 : i32
    %dma_wait3A_33 = arith.constant 0 : i32
    %dma_wait3A_34 = tpu.memref_slice %arg2[%dma_wait3A_32, %dma_wait3A_33] : memref<4096x768xf32, #tpu.memory_space<hbm>> -> memref<4096x768xf32, #tpu.memory_space<hbm>>
    tpu.wait_indirect_dma semaphore(%arg9 : memref<!tpu.dma_semaphore, #tpu.memory_space<semaphore_mem>>) src(%dma_wait3A_34 : memref<4096x768xf32, #tpu.memory_space<hbm>>) dst(%arg7 : memref<64x768xf32, #tpu.memory_space<vmem>>)
    %dma_wait3A_35 = arith.constant 0 : i32
    %dma_wait3A_36 = tpu.memref_slice %arg4[%add3A_23, %dma_wait3A_35] : memref<4096x768xf32, #tpu.memory_space<hbm>> -> memref<64x768xf32, #tpu.memory_space<hbm>>
    %dma_wait3A_37 = arith.constant 0 : i32
    %dma_wait3A_38 = tpu.memref_slice %arg4[%add3A_23, %dma_wait3A_37] : memref<4096x768xf32, #tpu.memory_space<hbm>> -> memref<64x768xf32, #tpu.memory_space<hbm>>
    tpu.wait_dma2 semaphore(%arg10 : memref<!tpu.dma_semaphore, #tpu.memory_space<semaphore_mem>>) src(%arg6 : memref<64x768xf32, #tpu.memory_space<vmem>>) dst(%dma_wait3A_38 : memref<64x768xf32, #tpu.memory_space<hbm>>)
    %add3A_39 = arith.constant 64 : i32
    %add3A_40 = arith.addi %mul3A_2, %add3A_39 : i32
    %dma_start3A_41 = arith.constant 0 : i32
    %dma_start3A_42 = tpu.memref_slice %arg4[%add3A_40, %dma_start3A_41] : memref<4096x768xf32, #tpu.memory_space<hbm>> -> memref<64x768xf32, #tpu.memory_space<hbm>>
    %dma_start3A_43 = arith.constant 0 : i32
    %dma_start3A_44 = tpu.memref_slice %arg4[%add3A_40, %dma_start3A_43] : memref<4096x768xf32, #tpu.memory_space<hbm>> -> memref<64x768xf32, #tpu.memory_space<hbm>>
    tpu.enqueue_dma source(%arg7 : memref<64x768xf32, #tpu.memory_space<vmem>>) target(%dma_start3A_44 : memref<64x768xf32, #tpu.memory_space<hbm>>) target_semaphore(%arg11 : memref<!tpu.dma_semaphore, #tpu.memory_space<semaphore_mem>>)
    %dma_wait3A_45 = arith.constant 0 : i32
    %dma_wait3A_46 = tpu.memref_slice %arg4[%add3A_40, %dma_wait3A_45] : memref<4096x768xf32, #tpu.memory_space<hbm>> -> memref<64x768xf32, #tpu.memory_space<hbm>>
    %dma_wait3A_47 = arith.constant 0 : i32
    %dma_wait3A_48 = tpu.memref_slice %arg4[%add3A_40, %dma_wait3A_47] : memref<4096x768xf32, #tpu.memory_space<hbm>> -> memref<64x768xf32, #tpu.memory_space<hbm>>
    tpu.wait_dma2 semaphore(%arg11 : memref<!tpu.dma_semaphore, #tpu.memory_space<semaphore_mem>>) src(%arg7 : memref<64x768xf32, #tpu.memory_space<vmem>>) dst(%dma_wait3A_48 : memref<64x768xf32, #tpu.memory_space<hbm>>)
    return
  }
}

#map = affine_map<(d0, d1) -> (0, 0)>
#map1 = affine_map<(d0, d1) -> (0, 0, 0)>
module attributes {stable_mosaic.version = 14 : i64} {
  func.func @k(%arg0: i32, %arg1: i32, %arg2: memref<12920x768xf32, #tpu.memory_space<hbm>>, %arg3: memref<32x2x64xi32, #tpu.memory_space<hbm>>, %arg4: memref<32x2x64xi32, #tpu.memory_space<hbm>>, %arg5: memref<4096x768xf32, #tpu.memory_space<hbm>>, %arg6: memref<2x64xi32, #tpu.memory_space<vmem>>, %arg7: memref<2x64xi32, #tpu.memory_space<vmem>>, %arg8: memref<64x768xf32, #tpu.memory_space<vmem>>, %arg9: memref<64x768xf32, #tpu.memory_space<vmem>>, %arg10: memref<!tpu.dma_semaphore, #tpu.memory_space<semaphore_mem>>, %arg11: memref<!tpu.dma_semaphore, #tpu.memory_space<semaphore_mem>>, %arg12: memref<!tpu.dma_semaphore, #tpu.memory_space<semaphore_mem>>, %arg13: memref<!tpu.dma_semaphore, #tpu.memory_space<semaphore_mem>>) attributes {dimension_semantics = [#tpu.dimension_semantics<core_parallel>, #tpu.dimension_semantics<subcore_parallel>], iteration_bounds = array<i64: 2, 16>, scalar_prefetch = 0 : i64, scratch_operands = 8 : i64, tpu.core_type = #tpu.core_type<sc_vector_subcore>, window_params = [{transform_indices = #map}, {transform_indices = #map1}, {transform_indices = #map1}, {transform_indices = #map}]} {
    %mul3A = arith.constant 2 : i32
    %mul3A_0 = arith.muli %arg1, %mul3A : i32
    %add3A = arith.addi %mul3A_0, %arg0 : i32
    "tpu.region"() ({
      %run_scoped3A = tpu.sem_alloc : memref<!tpu.dma_semaphore, #tpu.memory_space<semaphore_mem>>
      %dma_start3A_55 = arith.constant 0 : i32
      %dma_start3A_56 = arith.constant 0 : i32
      %dma_start3A_57 = tpu.memref_slice %arg3[%add3A, %dma_start3A_55, %dma_start3A_56] : memref<32x2x64xi32, #tpu.memory_space<hbm>> -> memref<1x2x64xi32, #tpu.memory_space<hbm>>
      %dma_start3A_58 = tpu.memref_squeeze %dma_start3A_57 : memref<1x2x64xi32, #tpu.memory_space<hbm>> -> memref<2x64xi32, #tpu.memory_space<hbm>>
      %dma_start3A_59 = arith.constant 0 : i32
      %dma_start3A_60 = arith.constant 0 : i32
      %dma_start3A_61 = tpu.memref_slice %arg3[%add3A, %dma_start3A_59, %dma_start3A_60] : memref<32x2x64xi32, #tpu.memory_space<hbm>> -> memref<1x2x64xi32, #tpu.memory_space<hbm>>
      %dma_start3A_62 = tpu.memref_squeeze %dma_start3A_61 : memref<1x2x64xi32, #tpu.memory_space<hbm>> -> memref<2x64xi32, #tpu.memory_space<hbm>>
      tpu.enqueue_dma source(%dma_start3A_62 : memref<2x64xi32, #tpu.memory_space<hbm>>) target(%arg6 : memref<2x64xi32, #tpu.memory_space<vmem>>) target_semaphore(%run_scoped3A : memref<!tpu.dma_semaphore, #tpu.memory_space<semaphore_mem>>)
      %dma_wait3A_63 = arith.constant 0 : i32
      %dma_wait3A_64 = arith.constant 0 : i32
      %dma_wait3A_65 = tpu.memref_slice %arg3[%add3A, %dma_wait3A_63, %dma_wait3A_64] : memref<32x2x64xi32, #tpu.memory_space<hbm>> -> memref<1x2x64xi32, #tpu.memory_space<hbm>>
      %dma_wait3A_66 = tpu.memref_squeeze %dma_wait3A_65 : memref<1x2x64xi32, #tpu.memory_space<hbm>> -> memref<2x64xi32, #tpu.memory_space<hbm>>
      %dma_wait3A_67 = arith.constant 0 : i32
      %dma_wait3A_68 = arith.constant 0 : i32
      %dma_wait3A_69 = tpu.memref_slice %arg3[%add3A, %dma_wait3A_67, %dma_wait3A_68] : memref<32x2x64xi32, #tpu.memory_space<hbm>> -> memref<1x2x64xi32, #tpu.memory_space<hbm>>
      %dma_wait3A_70 = tpu.memref_squeeze %dma_wait3A_69 : memref<1x2x64xi32, #tpu.memory_space<hbm>> -> memref<2x64xi32, #tpu.memory_space<hbm>>
      tpu.wait_dma2 semaphore(%run_scoped3A : memref<!tpu.dma_semaphore, #tpu.memory_space<semaphore_mem>>) src(%dma_wait3A_70 : memref<2x64xi32, #tpu.memory_space<hbm>>) dst(%arg6 : memref<2x64xi32, #tpu.memory_space<vmem>>)
      tpu.yield
    }) : () -> ()
    "tpu.region"() ({
      %run_scoped3A = tpu.sem_alloc : memref<!tpu.dma_semaphore, #tpu.memory_space<semaphore_mem>>
      %dma_start3A_55 = arith.constant 0 : i32
      %dma_start3A_56 = arith.constant 0 : i32
      %dma_start3A_57 = tpu.memref_slice %arg4[%add3A, %dma_start3A_55, %dma_start3A_56] : memref<32x2x64xi32, #tpu.memory_space<hbm>> -> memref<1x2x64xi32, #tpu.memory_space<hbm>>
      %dma_start3A_58 = tpu.memref_squeeze %dma_start3A_57 : memref<1x2x64xi32, #tpu.memory_space<hbm>> -> memref<2x64xi32, #tpu.memory_space<hbm>>
      %dma_start3A_59 = arith.constant 0 : i32
      %dma_start3A_60 = arith.constant 0 : i32
      %dma_start3A_61 = tpu.memref_slice %arg4[%add3A, %dma_start3A_59, %dma_start3A_60] : memref<32x2x64xi32, #tpu.memory_space<hbm>> -> memref<1x2x64xi32, #tpu.memory_space<hbm>>
      %dma_start3A_62 = tpu.memref_squeeze %dma_start3A_61 : memref<1x2x64xi32, #tpu.memory_space<hbm>> -> memref<2x64xi32, #tpu.memory_space<hbm>>
      tpu.enqueue_dma source(%dma_start3A_62 : memref<2x64xi32, #tpu.memory_space<hbm>>) target(%arg7 : memref<2x64xi32, #tpu.memory_space<vmem>>) target_semaphore(%run_scoped3A : memref<!tpu.dma_semaphore, #tpu.memory_space<semaphore_mem>>)
      %dma_wait3A_63 = arith.constant 0 : i32
      %dma_wait3A_64 = arith.constant 0 : i32
      %dma_wait3A_65 = tpu.memref_slice %arg4[%add3A, %dma_wait3A_63, %dma_wait3A_64] : memref<32x2x64xi32, #tpu.memory_space<hbm>> -> memref<1x2x64xi32, #tpu.memory_space<hbm>>
      %dma_wait3A_66 = tpu.memref_squeeze %dma_wait3A_65 : memref<1x2x64xi32, #tpu.memory_space<hbm>> -> memref<2x64xi32, #tpu.memory_space<hbm>>
      %dma_wait3A_67 = arith.constant 0 : i32
      %dma_wait3A_68 = arith.constant 0 : i32
      %dma_wait3A_69 = tpu.memref_slice %arg4[%add3A, %dma_wait3A_67, %dma_wait3A_68] : memref<32x2x64xi32, #tpu.memory_space<hbm>> -> memref<1x2x64xi32, #tpu.memory_space<hbm>>
      %dma_wait3A_70 = tpu.memref_squeeze %dma_wait3A_69 : memref<1x2x64xi32, #tpu.memory_space<hbm>> -> memref<2x64xi32, #tpu.memory_space<hbm>>
      tpu.wait_dma2 semaphore(%run_scoped3A : memref<!tpu.dma_semaphore, #tpu.memory_space<semaphore_mem>>) src(%dma_wait3A_70 : memref<2x64xi32, #tpu.memory_space<hbm>>) dst(%arg7 : memref<2x64xi32, #tpu.memory_space<vmem>>)
      tpu.yield
    }) : () -> ()
    %dma_start3A = arith.constant 0 : i32
    %dma_start3A_1 = arith.constant 0 : i32
    %dma_start3A_2 = tpu.memref_slice %arg6[%dma_start3A, %dma_start3A_1] : memref<2x64xi32, #tpu.memory_space<vmem>> -> memref<1x64xi32, #tpu.memory_space<vmem>>
    %dma_start3A_3 = tpu.memref_squeeze %dma_start3A_2 : memref<1x64xi32, #tpu.memory_space<vmem>> -> memref<64xi32, #tpu.memory_space<vmem>>
    %dma_start3A_4 = arith.constant 0 : i32
    %dma_start3A_5 = arith.constant 0 : i32
    %dma_start3A_6 = tpu.memref_slice %arg2[%dma_start3A_4, %dma_start3A_5] : memref<12920x768xf32, #tpu.memory_space<hbm>> -> memref<12920x768xf32, #tpu.memory_space<hbm>>
    tpu.enqueue_indirect_dma source(%dma_start3A_6 : memref<12920x768xf32, #tpu.memory_space<hbm>>) target(%arg8 : memref<64x768xf32, #tpu.memory_space<vmem>>) offsets(%dma_start3A_3 : memref<64xi32, #tpu.memory_space<vmem>>) semaphore(%arg10 : memref<!tpu.dma_semaphore, #tpu.memory_space<semaphore_mem>>)
    %dma_wait3A = arith.constant 0 : i32
    %dma_wait3A_7 = arith.constant 0 : i32
    %dma_wait3A_8 = tpu.memref_slice %arg6[%dma_wait3A, %dma_wait3A_7] : memref<2x64xi32, #tpu.memory_space<vmem>> -> memref<1x64xi32, #tpu.memory_space<vmem>>
    %dma_wait3A_9 = tpu.memref_squeeze %dma_wait3A_8 : memref<1x64xi32, #tpu.memory_space<vmem>> -> memref<64xi32, #tpu.memory_space<vmem>>
    %dma_wait3A_10 = arith.constant 0 : i32
    %dma_wait3A_11 = arith.constant 0 : i32
    %dma_wait3A_12 = tpu.memref_slice %arg2[%dma_wait3A_10, %dma_wait3A_11] : memref<12920x768xf32, #tpu.memory_space<hbm>> -> memref<12920x768xf32, #tpu.memory_space<hbm>>
    tpu.wait_indirect_dma semaphore(%arg10 : memref<!tpu.dma_semaphore, #tpu.memory_space<semaphore_mem>>) src(%dma_wait3A_12 : memref<12920x768xf32, #tpu.memory_space<hbm>>) dst(%arg8 : memref<64x768xf32, #tpu.memory_space<vmem>>)
    %dma_start3A_13 = arith.constant 1 : i32
    %dma_start3A_14 = arith.constant 0 : i32
    %dma_start3A_15 = tpu.memref_slice %arg6[%dma_start3A_13, %dma_start3A_14] : memref<2x64xi32, #tpu.memory_space<vmem>> -> memref<1x64xi32, #tpu.memory_space<vmem>>
    %dma_start3A_16 = tpu.memref_squeeze %dma_start3A_15 : memref<1x64xi32, #tpu.memory_space<vmem>> -> memref<64xi32, #tpu.memory_space<vmem>>
    %dma_start3A_17 = arith.constant 0 : i32
    %dma_start3A_18 = arith.constant 0 : i32
    %dma_start3A_19 = tpu.memref_slice %arg2[%dma_start3A_17, %dma_start3A_18] : memref<12920x768xf32, #tpu.memory_space<hbm>> -> memref<12920x768xf32, #tpu.memory_space<hbm>>
    tpu.enqueue_indirect_dma source(%dma_start3A_19 : memref<12920x768xf32, #tpu.memory_space<hbm>>) target(%arg9 : memref<64x768xf32, #tpu.memory_space<vmem>>) offsets(%dma_start3A_16 : memref<64xi32, #tpu.memory_space<vmem>>) semaphore(%arg11 : memref<!tpu.dma_semaphore, #tpu.memory_space<semaphore_mem>>)
    %dma_start3A_20 = arith.constant 0 : i32
    %dma_start3A_21 = arith.constant 0 : i32
    %dma_start3A_22 = tpu.memref_slice %arg7[%dma_start3A_20, %dma_start3A_21] : memref<2x64xi32, #tpu.memory_space<vmem>> -> memref<1x64xi32, #tpu.memory_space<vmem>>
    %dma_start3A_23 = tpu.memref_squeeze %dma_start3A_22 : memref<1x64xi32, #tpu.memory_space<vmem>> -> memref<64xi32, #tpu.memory_space<vmem>>
    %dma_start3A_24 = arith.constant 0 : i32
    %dma_start3A_25 = arith.constant 0 : i32
    %dma_start3A_26 = tpu.memref_slice %arg5[%dma_start3A_24, %dma_start3A_25] : memref<4096x768xf32, #tpu.memory_space<hbm>> -> memref<4096x768xf32, #tpu.memory_space<hbm>>
    tpu.enqueue_indirect_dma source(%arg8 : memref<64x768xf32, #tpu.memory_space<vmem>>) target(%dma_start3A_26 : memref<4096x768xf32, #tpu.memory_space<hbm>>) offsets(%dma_start3A_23 : memref<64xi32, #tpu.memory_space<vmem>>) semaphore(%arg12 : memref<!tpu.dma_semaphore, #tpu.memory_space<semaphore_mem>>)
    %dma_wait3A_27 = arith.constant 1 : i32
    %dma_wait3A_28 = arith.constant 0 : i32
    %dma_wait3A_29 = tpu.memref_slice %arg6[%dma_wait3A_27, %dma_wait3A_28] : memref<2x64xi32, #tpu.memory_space<vmem>> -> memref<1x64xi32, #tpu.memory_space<vmem>>
    %dma_wait3A_30 = tpu.memref_squeeze %dma_wait3A_29 : memref<1x64xi32, #tpu.memory_space<vmem>> -> memref<64xi32, #tpu.memory_space<vmem>>
    %dma_wait3A_31 = arith.constant 0 : i32
    %dma_wait3A_32 = arith.constant 0 : i32
    %dma_wait3A_33 = tpu.memref_slice %arg2[%dma_wait3A_31, %dma_wait3A_32] : memref<12920x768xf32, #tpu.memory_space<hbm>> -> memref<12920x768xf32, #tpu.memory_space<hbm>>
    tpu.wait_indirect_dma semaphore(%arg11 : memref<!tpu.dma_semaphore, #tpu.memory_space<semaphore_mem>>) src(%dma_wait3A_33 : memref<12920x768xf32, #tpu.memory_space<hbm>>) dst(%arg9 : memref<64x768xf32, #tpu.memory_space<vmem>>)
    %dma_wait3A_34 = arith.constant 0 : i32
    %dma_wait3A_35 = arith.constant 0 : i32
    %dma_wait3A_36 = tpu.memref_slice %arg7[%dma_wait3A_34, %dma_wait3A_35] : memref<2x64xi32, #tpu.memory_space<vmem>> -> memref<1x64xi32, #tpu.memory_space<vmem>>
    %dma_wait3A_37 = tpu.memref_squeeze %dma_wait3A_36 : memref<1x64xi32, #tpu.memory_space<vmem>> -> memref<64xi32, #tpu.memory_space<vmem>>
    %dma_wait3A_38 = arith.constant 0 : i32
    %dma_wait3A_39 = arith.constant 0 : i32
    %dma_wait3A_40 = tpu.memref_slice %arg5[%dma_wait3A_38, %dma_wait3A_39] : memref<4096x768xf32, #tpu.memory_space<hbm>> -> memref<4096x768xf32, #tpu.memory_space<hbm>>
    tpu.wait_indirect_dma semaphore(%arg12 : memref<!tpu.dma_semaphore, #tpu.memory_space<semaphore_mem>>) src(%arg8 : memref<64x768xf32, #tpu.memory_space<vmem>>) dst(%dma_wait3A_40 : memref<4096x768xf32, #tpu.memory_space<hbm>>)
    %dma_start3A_41 = arith.constant 1 : i32
    %dma_start3A_42 = arith.constant 0 : i32
    %dma_start3A_43 = tpu.memref_slice %arg7[%dma_start3A_41, %dma_start3A_42] : memref<2x64xi32, #tpu.memory_space<vmem>> -> memref<1x64xi32, #tpu.memory_space<vmem>>
    %dma_start3A_44 = tpu.memref_squeeze %dma_start3A_43 : memref<1x64xi32, #tpu.memory_space<vmem>> -> memref<64xi32, #tpu.memory_space<vmem>>
    %dma_start3A_45 = arith.constant 0 : i32
    %dma_start3A_46 = arith.constant 0 : i32
    %dma_start3A_47 = tpu.memref_slice %arg5[%dma_start3A_45, %dma_start3A_46] : memref<4096x768xf32, #tpu.memory_space<hbm>> -> memref<4096x768xf32, #tpu.memory_space<hbm>>
    tpu.enqueue_indirect_dma source(%arg9 : memref<64x768xf32, #tpu.memory_space<vmem>>) target(%dma_start3A_47 : memref<4096x768xf32, #tpu.memory_space<hbm>>) offsets(%dma_start3A_44 : memref<64xi32, #tpu.memory_space<vmem>>) semaphore(%arg13 : memref<!tpu.dma_semaphore, #tpu.memory_space<semaphore_mem>>)
    %dma_wait3A_48 = arith.constant 1 : i32
    %dma_wait3A_49 = arith.constant 0 : i32
    %dma_wait3A_50 = tpu.memref_slice %arg7[%dma_wait3A_48, %dma_wait3A_49] : memref<2x64xi32, #tpu.memory_space<vmem>> -> memref<1x64xi32, #tpu.memory_space<vmem>>
    %dma_wait3A_51 = tpu.memref_squeeze %dma_wait3A_50 : memref<1x64xi32, #tpu.memory_space<vmem>> -> memref<64xi32, #tpu.memory_space<vmem>>
    %dma_wait3A_52 = arith.constant 0 : i32
    %dma_wait3A_53 = arith.constant 0 : i32
    %dma_wait3A_54 = tpu.memref_slice %arg5[%dma_wait3A_52, %dma_wait3A_53] : memref<4096x768xf32, #tpu.memory_space<hbm>> -> memref<4096x768xf32, #tpu.memory_space<hbm>>
    tpu.wait_indirect_dma semaphore(%arg13 : memref<!tpu.dma_semaphore, #tpu.memory_space<semaphore_mem>>) src(%arg9 : memref<64x768xf32, #tpu.memory_space<vmem>>) dst(%dma_wait3A_54 : memref<4096x768xf32, #tpu.memory_space<hbm>>)
    return
  }
}

module attributes {stable_mosaic.version = 14 : i64} {
  func.func @_gate_body(%arg0: memref<4096x768xf32, #tpu.memory_space<vmem>>, %arg1: memref<768x64xf32, #tpu.memory_space<vmem>>, %arg2: memref<4096x1xi32, #tpu.memory_space<vmem>>, %arg3: memref<4096x1xf32, #tpu.memory_space<vmem>>) attributes {dimension_semantics = [], scalar_prefetch = 0 : i64, scratch_operands = 0 : i64, tpu.core_type = #tpu.core_type<tc>} {
    %get3A = arith.constant 0 : index
    %get3A_0 = arith.constant 0 : index
    %get3A_1 = vector.load %arg0[%get3A, %get3A_0] : memref<4096x768xf32, #tpu.memory_space<vmem>>, vector<4096x768xf32>
    %get3A_2 = arith.constant 0 : index
    %get3A_3 = arith.constant 0 : index
    %get3A_4 = vector.load %arg1[%get3A_2, %get3A_3] : memref<768x64xf32, #tpu.memory_space<vmem>>, vector<768x64xf32>
    %dot_general3A = arith.constant dense<0.000000e+00> : vector<4096x64xf32>
    %dot_general3A_5 = tpu.matmul %get3A_1, %get3A_4, %dot_general3A {dimension_numbers = #tpu.dot_dimension_numbers<[1], [0], [0], [1], [0, 0, 1, 1], [], []>, transpose_lhs_hint = false} : vector<4096x768xf32>, vector<768x64xf32>, vector<4096x64xf32> -> vector<4096x64xf32>
    %reduce_max3A = arith.constant dense<0xFF800000> : vector<4096xf32>
    %reduce_max3A_6 = vector.multi_reduction <maximumf>, %dot_general3A_5, %reduce_max3A [1] : vector<4096x64xf32> to vector<4096xf32>
    %broadcast_in_dim3A = vector.shape_cast %reduce_max3A_6 : vector<4096xf32> to vector<4096x1xf32>
    %sub3A = vector.broadcast %broadcast_in_dim3A : vector<4096x1xf32> to vector<4096x64xf32>
    %sub3A_7 = arith.subf %dot_general3A_5, %sub3A : vector<4096x64xf32>
    %exp3A = math.exp %sub3A_7 : vector<4096x64xf32>
    %reduce_sum3A = arith.constant dense<0.000000e+00> : vector<4096xf32>
    %reduce_sum3A_8 = vector.multi_reduction <add>, %exp3A, %reduce_sum3A [1] : vector<4096x64xf32> to vector<4096xf32>
    %broadcast_in_dim3A_9 = vector.shape_cast %reduce_sum3A_8 : vector<4096xf32> to vector<4096x1xf32>
    %div3A = arith.constant 1.000000e+00 : f32
    %div3A_10 = vector.broadcast %div3A : f32 to vector<4096x1xf32>
    %div3A_11 = arith.divf %div3A_10, %broadcast_in_dim3A_9 : vector<4096x1xf32>
    %swap3A = arith.constant 0 : index
    %swap3A_12 = arith.constant 0 : index
    %swap3A_13 = vector.load %arg3[%swap3A, %swap3A_12] : memref<4096x1xf32, #tpu.memory_space<vmem>>, vector<4096x1xf32>
    tpu.vector_store %arg3[%swap3A, %swap3A_12], %div3A_11 {strides = array<i32>} : memref<4096x1xf32, #tpu.memory_space<vmem>>, vector<4096x1xf32>,
    %iota3A = tpu.iota {dimensions = array<i32: 1>} : vector<4096x64xi32>
    %ge3A = vector.broadcast %broadcast_in_dim3A : vector<4096x1xf32> to vector<4096x64xf32>
    %ge3A_14 = arith.cmpf oge, %dot_general3A_5, %ge3A : vector<4096x64xf32>
    %jit3A = arith.constant 64 : i32
    %broadcast_in_dim3A_15 = vector.broadcast %jit3A : i32 to vector<4096x64xi32>
    %select_n3A = arith.select %ge3A_14, %iota3A, %broadcast_in_dim3A_15 : vector<4096x64xi1>, vector<4096x64xi32>
    %reduce_min3A = arith.constant dense<2147483647> : vector<4096xi32>
    %reduce_min3A_16 = vector.multi_reduction <minsi>, %select_n3A, %reduce_min3A [1] : vector<4096x64xi32> to vector<4096xi32>
    %broadcast_in_dim3A_17 = vector.shape_cast %reduce_min3A_16 : vector<4096xi32> to vector<4096x1xi32>
    %swap3A_18 = arith.constant 0 : index
    %swap3A_19 = arith.constant 0 : index
    %swap3A_20 = vector.load %arg2[%swap3A_18, %swap3A_19] : memref<4096x1xi32, #tpu.memory_space<vmem>>, vector<4096x1xi32>
    tpu.vector_store %arg2[%swap3A_18, %swap3A_19], %broadcast_in_dim3A_17 {strides = array<i32>} : memref<4096x1xi32, #tpu.memory_space<vmem>>, vector<4096x1xi32>,
    return
  }
}

module attributes {stable_mosaic.version = 14 : i64} {
  func.func @_ffn_body(%arg0: i32, %arg1: memref<95xi32, #tpu.memory_space<smem>>, %arg2: memref<95xi32, #tpu.memory_space<smem>>, %arg3: memref<4096x768xf32, #tpu.memory_space<any>>, %arg4: memref<4096x1xf32, #tpu.memory_space<any>>, %arg5: memref<1x768x1024xf32, #tpu.memory_space<vmem>>, %arg6: memref<1x768x1024xf32, #tpu.memory_space<vmem>>, %arg7: memref<1x1x1024xf32, #tpu.memory_space<vmem>>, %arg8: memref<1x1x1024xf32, #tpu.memory_space<vmem>>, %arg9: memref<1x1024x768xf32, #tpu.memory_space<vmem>>, %arg10: memref<1x1024x768xf32, #tpu.memory_space<vmem>>, %arg11: memref<1x1x768xf32, #tpu.memory_space<vmem>>, %arg12: memref<136x768xf32, #tpu.memory_space<vmem>>, %arg13: memref<2x136x768xf32, #tpu.memory_space<vmem>>, %arg14: memref<2x136x1xf32, #tpu.memory_space<vmem>>, %arg15: memref<2x!tpu.dma_semaphore, #tpu.memory_space<semaphore_mem>>, %arg16: memref<2x!tpu.dma_semaphore, #tpu.memory_space<semaphore_mem>>) attributes {dimension_semantics = [#tpu.dimension_semantics<arbitrary>], iteration_bounds = array<i64: -9223372036854775808>, scalar_prefetch = 2 : i64, scratch_operands = 4 : i64, tpu.core_type = #tpu.core_type<tc>, window_params = [{}, {}, {transform_indices = @transform_2, window_bounds = array<i64: 1, 768, 1024>}, {transform_indices = @transform_3, window_bounds = array<i64: 1, 768, 1024>}, {transform_indices = @transform_4, window_bounds = array<i64: 1, 1, 1024>}, {transform_indices = @transform_5, window_bounds = array<i64: 1, 1, 1024>}, {transform_indices = @transform_6, window_bounds = array<i64: 1, 1024, 768>}, {transform_indices = @transform_7, window_bounds = array<i64: 1, 1024, 768>}, {transform_indices = @transform_8, window_bounds = array<i64: 1, 1, 768>}, {transform_indices = @transform_9, window_bounds = array<i64: 136, 768>}]} {
    %num_programs3A = tpu.iteration_bound 0 : i32
    %eq3A = arith.constant 0 : i32
    %eq3A_0 = arith.cmpi eq, %arg0, %eq3A : i32
    %convert_element_type3A = arith.extui %eq3A_0 : i1 to i32
    %cond3A = arith.constant 0 : i32
    %cond3A_1 = arith.cmpi ne, %convert_element_type3A, %cond3A : i32
    scf.if %cond3A_1 {
      %get3A_132 = arith.constant 0 : index
      %get3A_133 = memref.load %arg1[%get3A_132] : memref<95xi32, #tpu.memory_space<smem>>
      %multiple_of3A_134 = tpu.assume_multiple %get3A_133, 8 : i32
      %dma_start3A = arith.constant 0 : i32
      %dma_start3A_135 = arith.constant 0 : i32
      %dma_start3A_136 = tpu.memref_slice %arg15[%dma_start3A_135] : memref<2x!tpu.dma_semaphore, #tpu.memory_space<semaphore_mem>> -> memref<1x!tpu.dma_semaphore, #tpu.memory_space<semaphore_mem>>
      %dma_start3A_137 = tpu.memref_squeeze %dma_start3A_136 : memref<1x!tpu.dma_semaphore, #tpu.memory_space<semaphore_mem>> -> memref<!tpu.dma_semaphore, #tpu.memory_space<semaphore_mem>>
      %dma_start3A_138 = arith.constant 0 : i32
      %dma_start3A_139 = arith.constant 0 : i32
      %dma_start3A_140 = tpu.memref_slice %arg13[%dma_start3A, %dma_start3A_138, %dma_start3A_139] : memref<2x136x768xf32, #tpu.memory_space<vmem>> -> memref<1x136x768xf32, #tpu.memory_space<vmem>>
      %dma_start3A_141 = tpu.memref_squeeze %dma_start3A_140 : memref<1x136x768xf32, #tpu.memory_space<vmem>> -> memref<136x768xf32, #tpu.memory_space<vmem>>
      %dma_start3A_142 = arith.constant 0 : i32
      %dma_start3A_143 = tpu.memref_slice %arg3[%multiple_of3A_134, %dma_start3A_142] : memref<4096x768xf32, #tpu.memory_space<any>> -> memref<136x768xf32, #tpu.memory_space<any>>
      tpu.enqueue_dma source(%dma_start3A_143 : memref<136x768xf32, #tpu.memory_space<any>>) target(%dma_start3A_141 : memref<136x768xf32, #tpu.memory_space<vmem>>) target_semaphore(%dma_start3A_137 : memref<!tpu.dma_semaphore, #tpu.memory_space<semaphore_mem>>)
      %dma_start3A_144 = arith.constant 0 : i32
      %dma_start3A_145 = arith.constant 0 : i32
      %dma_start3A_146 = tpu.memref_slice %arg16[%dma_start3A_145] : memref<2x!tpu.dma_semaphore, #tpu.memory_space<semaphore_mem>> -> memref<1x!tpu.dma_semaphore, #tpu.memory_space<semaphore_mem>>
      %dma_start3A_147 = tpu.memref_squeeze %dma_start3A_146 : memref<1x!tpu.dma_semaphore, #tpu.memory_space<semaphore_mem>> -> memref<!tpu.dma_semaphore, #tpu.memory_space<semaphore_mem>>
      %dma_start3A_148 = arith.constant 0 : i32
      %dma_start3A_149 = arith.constant 0 : i32
      %dma_start3A_150 = tpu.memref_slice %arg14[%dma_start3A_144, %dma_start3A_148, %dma_start3A_149] : memref<2x136x1xf32, #tpu.memory_space<vmem>> -> memref<1x136x1xf32, #tpu.memory_space<vmem>>
      %dma_start3A_151 = tpu.memref_squeeze %dma_start3A_150 : memref<1x136x1xf32, #tpu.memory_space<vmem>> -> memref<136x1xf32, #tpu.memory_space<vmem>>
      %dma_start3A_152 = arith.constant 0 : i32
      %dma_start3A_153 = tpu.memref_slice %arg4[%multiple_of3A_134, %dma_start3A_152] : memref<4096x1xf32, #tpu.memory_space<any>> -> memref<136x1xf32, #tpu.memory_space<any>>
      tpu.enqueue_dma source(%dma_start3A_153 : memref<136x1xf32, #tpu.memory_space<any>>) target(%dma_start3A_151 : memref<136x1xf32, #tpu.memory_space<vmem>>) target_semaphore(%dma_start3A_147 : memref<!tpu.dma_semaphore, #tpu.memory_space<semaphore_mem>>)
    } else {
    }
    %add3A = arith.constant 1 : i32
    %add3A_2 = arith.addi %arg0, %add3A : i32
    %lt3A = arith.cmpi slt, %add3A_2, %num_programs3A : i32
    %convert_element_type3A_3 = arith.extui %lt3A : i1 to i32
    %cond3A_4 = arith.constant 0 : i32
    %cond3A_5 = arith.cmpi ne, %convert_element_type3A_3, %cond3A_4 : i32
    scf.if %cond3A_5 {
      %add3A_132 = arith.constant 1 : i32
      %add3A_133 = arith.addi %arg0, %add3A_132 : i32
      %sub3A = arith.constant 1 : i32
      %sub3A_134 = arith.subi %num_programs3A, %sub3A : i32
      %min3A = arith.minsi %add3A_133, %sub3A_134 : i32
      %add3A_135 = arith.constant 1 : i32
      %add3A_136 = arith.addi %arg0, %add3A_135 : i32
      %jit3A_137 = arith.constant 2 : i32
      %eq3A_138 = arith.constant 0 : i32
      %eq3A_139 = arith.cmpi eq, %jit3A_137, %eq3A_138 : i32
      %jit3A_140 = arith.constant 1 : i32
      %select_n3A_141 = arith.select %eq3A_139, %jit3A_140, %jit3A_137 : i32
      %rem3A_142 = arith.remsi %add3A_136, %select_n3A_141 : i32
      %ne3A_143 = arith.constant 0 : i32
      %ne3A_144 = arith.cmpi ne, %rem3A_142, %ne3A_143 : i32
      %lt3A_145 = arith.constant 0 : i32
      %lt3A_146 = arith.cmpi slt, %rem3A_142, %lt3A_145 : i32
      %lt3A_147 = arith.constant 0 : i32
      %lt3A_148 = arith.cmpi slt, %select_n3A_141, %lt3A_147 : i32
      %ne3A_149 = arith.xori %lt3A_146, %lt3A_148 : i1
      %and3A_150 = arith.andi %ne3A_149, %ne3A_144 : i1
      %add3A_151 = arith.addi %rem3A_142, %select_n3A_141 : i32
      %select_n3A_152 = arith.select %and3A_150, %add3A_151, %rem3A_142 : i32
      %get3A_153 = arith.index_cast %min3A : i32 to index
      %get3A_154 = memref.load %arg1[%get3A_153] : memref<95xi32, #tpu.memory_space<smem>>
      %multiple_of3A_155 = tpu.assume_multiple %get3A_154, 8 : i32
      %dma_start3A = tpu.memref_slice %arg15[%select_n3A_152] : memref<2x!tpu.dma_semaphore, #tpu.memory_space<semaphore_mem>> -> memref<1x!tpu.dma_semaphore, #tpu.memory_space<semaphore_mem>>
      %dma_start3A_156 = tpu.memref_squeeze %dma_start3A : memref<1x!tpu.dma_semaphore, #tpu.memory_space<semaphore_mem>> -> memref<!tpu.dma_semaphore, #tpu.memory_space<semaphore_mem>>
      %dma_start3A_157 = arith.constant 0 : i32
      %dma_start3A_158 = arith.constant 0 : i32
      %dma_start3A_159 = tpu.memref_slice %arg13[%select_n3A_152, %dma_start3A_157, %dma_start3A_158] : memref<2x136x768xf32, #tpu.memory_space<vmem>> -> memref<1x136x768xf32, #tpu.memory_space<vmem>>
      %dma_start3A_160 = tpu.memref_squeeze %dma_start3A_159 : memref<1x136x768xf32, #tpu.memory_space<vmem>> -> memref<136x768xf32, #tpu.memory_space<vmem>>
      %dma_start3A_161 = arith.constant 0 : i32
      %dma_start3A_162 = tpu.memref_slice %arg3[%multiple_of3A_155, %dma_start3A_161] : memref<4096x768xf32, #tpu.memory_space<any>> -> memref<136x768xf32, #tpu.memory_space<any>>
      tpu.enqueue_dma source(%dma_start3A_162 : memref<136x768xf32, #tpu.memory_space<any>>) target(%dma_start3A_160 : memref<136x768xf32, #tpu.memory_space<vmem>>) target_semaphore(%dma_start3A_156 : memref<!tpu.dma_semaphore, #tpu.memory_space<semaphore_mem>>)
      %dma_start3A_163 = tpu.memref_slice %arg16[%select_n3A_152] : memref<2x!tpu.dma_semaphore, #tpu.memory_space<semaphore_mem>> -> memref<1x!tpu.dma_semaphore, #tpu.memory_space<semaphore_mem>>
      %dma_start3A_164 = tpu.memref_squeeze %dma_start3A_163 : memref<1x!tpu.dma_semaphore, #tpu.memory_space<semaphore_mem>> -> memref<!tpu.dma_semaphore, #tpu.memory_space<semaphore_mem>>
      %dma_start3A_165 = arith.constant 0 : i32
      %dma_start3A_166 = arith.constant 0 : i32
      %dma_start3A_167 = tpu.memref_slice %arg14[%select_n3A_152, %dma_start3A_165, %dma_start3A_166] : memref<2x136x1xf32, #tpu.memory_space<vmem>> -> memref<1x136x1xf32, #tpu.memory_space<vmem>>
      %dma_start3A_168 = tpu.memref_squeeze %dma_start3A_167 : memref<1x136x1xf32, #tpu.memory_space<vmem>> -> memref<136x1xf32, #tpu.memory_space<vmem>>
      %dma_start3A_169 = arith.constant 0 : i32
      %dma_start3A_170 = tpu.memref_slice %arg4[%multiple_of3A_155, %dma_start3A_169] : memref<4096x1xf32, #tpu.memory_space<any>> -> memref<136x1xf32, #tpu.memory_space<any>>
      tpu.enqueue_dma source(%dma_start3A_170 : memref<136x1xf32, #tpu.memory_space<any>>) target(%dma_start3A_168 : memref<136x1xf32, #tpu.memory_space<vmem>>) target_semaphore(%dma_start3A_164 : memref<!tpu.dma_semaphore, #tpu.memory_space<semaphore_mem>>)
    } else {
    }
    %jit3A = arith.constant 2 : i32
    %eq3A_6 = arith.constant 0 : i32
    %eq3A_7 = arith.cmpi eq, %jit3A, %eq3A_6 : i32
    %jit3A_8 = arith.constant 1 : i32
    %select_n3A = arith.select %eq3A_7, %jit3A_8, %jit3A : i32
    %rem3A = arith.remsi %arg0, %select_n3A : i32
    %ne3A = arith.constant 0 : i32
    %ne3A_9 = arith.cmpi ne, %rem3A, %ne3A : i32
    %lt3A_10 = arith.constant 0 : i32
    %lt3A_11 = arith.cmpi slt, %rem3A, %lt3A_10 : i32
    %lt3A_12 = arith.constant 0 : i32
    %lt3A_13 = arith.cmpi slt, %select_n3A, %lt3A_12 : i32
    %ne3A_14 = arith.xori %lt3A_11, %lt3A_13 : i1
    %and3A = arith.andi %ne3A_14, %ne3A_9 : i1
    %add3A_15 = arith.addi %rem3A, %select_n3A : i32
    %select_n3A_16 = arith.select %and3A, %add3A_15, %rem3A : i32
    %get3A = arith.index_cast %arg0 : i32 to index
    %get3A_17 = memref.load %arg1[%get3A] : memref<95xi32, #tpu.memory_space<smem>>
    %multiple_of3A = tpu.assume_multiple %get3A_17, 8 : i32
    %dma_wait3A = tpu.memref_slice %arg15[%select_n3A_16] : memref<2x!tpu.dma_semaphore, #tpu.memory_space<semaphore_mem>> -> memref<1x!tpu.dma_semaphore, #tpu.memory_space<semaphore_mem>>
    %dma_wait3A_18 = tpu.memref_squeeze %dma_wait3A : memref<1x!tpu.dma_semaphore, #tpu.memory_space<semaphore_mem>> -> memref<!tpu.dma_semaphore, #tpu.memory_space<semaphore_mem>>
    %dma_wait3A_19 = arith.constant 0 : i32
    %dma_wait3A_20 = arith.constant 0 : i32
    %dma_wait3A_21 = tpu.memref_slice %arg13[%select_n3A_16, %dma_wait3A_19, %dma_wait3A_20] : memref<2x136x768xf32, #tpu.memory_space<vmem>> -> memref<1x136x768xf32, #tpu.memory_space<vmem>>
    %dma_wait3A_22 = tpu.memref_squeeze %dma_wait3A_21 : memref<1x136x768xf32, #tpu.memory_space<vmem>> -> memref<136x768xf32, #tpu.memory_space<vmem>>
    %dma_wait3A_23 = arith.constant 0 : i32
    %dma_wait3A_24 = tpu.memref_slice %arg3[%multiple_of3A, %dma_wait3A_23] : memref<4096x768xf32, #tpu.memory_space<any>> -> memref<136x768xf32, #tpu.memory_space<any>>
    tpu.wait_dma2 semaphore(%dma_wait3A_18 : memref<!tpu.dma_semaphore, #tpu.memory_space<semaphore_mem>>) src(%dma_wait3A_24 : memref<136x768xf32, #tpu.memory_space<any>>) dst(%dma_wait3A_22 : memref<136x768xf32, #tpu.memory_space<vmem>>)
    %dma_wait3A_25 = tpu.memref_slice %arg16[%select_n3A_16] : memref<2x!tpu.dma_semaphore, #tpu.memory_space<semaphore_mem>> -> memref<1x!tpu.dma_semaphore, #tpu.memory_space<semaphore_mem>>
    %dma_wait3A_26 = tpu.memref_squeeze %dma_wait3A_25 : memref<1x!tpu.dma_semaphore, #tpu.memory_space<semaphore_mem>> -> memref<!tpu.dma_semaphore, #tpu.memory_space<semaphore_mem>>
    %dma_wait3A_27 = arith.constant 0 : i32
    %dma_wait3A_28 = arith.constant 0 : i32
    %dma_wait3A_29 = tpu.memref_slice %arg14[%select_n3A_16, %dma_wait3A_27, %dma_wait3A_28] : memref<2x136x1xf32, #tpu.memory_space<vmem>> -> memref<1x136x1xf32, #tpu.memory_space<vmem>>
    %dma_wait3A_30 = tpu.memref_squeeze %dma_wait3A_29 : memref<1x136x1xf32, #tpu.memory_space<vmem>> -> memref<136x1xf32, #tpu.memory_space<vmem>>
    %dma_wait3A_31 = arith.constant 0 : i32
    %dma_wait3A_32 = tpu.memref_slice %arg4[%multiple_of3A, %dma_wait3A_31] : memref<4096x1xf32, #tpu.memory_space<any>> -> memref<136x1xf32, #tpu.memory_space<any>>
    tpu.wait_dma2 semaphore(%dma_wait3A_26 : memref<!tpu.dma_semaphore, #tpu.memory_space<semaphore_mem>>) src(%dma_wait3A_32 : memref<136x1xf32, #tpu.memory_space<any>>) dst(%dma_wait3A_30 : memref<136x1xf32, #tpu.memory_space<vmem>>)
    %jit3A_33 = arith.constant 2 : i32
    %eq3A_34 = arith.constant 0 : i32
    %eq3A_35 = arith.cmpi eq, %jit3A_33, %eq3A_34 : i32
    %jit3A_36 = arith.constant 1 : i32
    %select_n3A_37 = arith.select %eq3A_35, %jit3A_36, %jit3A_33 : i32
    %rem3A_38 = arith.remsi %arg0, %select_n3A_37 : i32
    %ne3A_39 = arith.constant 0 : i32
    %ne3A_40 = arith.cmpi ne, %rem3A_38, %ne3A_39 : i32
    %lt3A_41 = arith.constant 0 : i32
    %lt3A_42 = arith.cmpi slt, %rem3A_38, %lt3A_41 : i32
    %lt3A_43 = arith.constant 0 : i32
    %lt3A_44 = arith.cmpi slt, %select_n3A_37, %lt3A_43 : i32
    %ne3A_45 = arith.xori %lt3A_42, %lt3A_44 : i1
    %and3A_46 = arith.andi %ne3A_45, %ne3A_40 : i1
    %add3A_47 = arith.addi %rem3A_38, %select_n3A_37 : i32
    %select_n3A_48 = arith.select %and3A_46, %add3A_47, %rem3A_38 : i32
    %get3A_49 = arith.index_cast %select_n3A_48 : i32 to index
    %get3A_50 = arith.constant 0 : index
    %get3A_51 = arith.constant 0 : index
    %get3A_52 = vector.load %arg13[%get3A_49, %get3A_50, %get3A_51] : memref<2x136x768xf32, #tpu.memory_space<vmem>>, vector<1x136x768xf32>
    %get3A_53 = vector.shape_cast %get3A_52 : vector<1x136x768xf32> to vector<136x768xf32>
    %get3A_54 = arith.constant 0 : index
    %get3A_55 = arith.constant 0 : index
    %get3A_56 = arith.constant 0 : index
    %get3A_57 = vector.load %arg5[%get3A_54, %get3A_55, %get3A_56] : memref<1x768x1024xf32, #tpu.memory_space<vmem>>, vector<1x768x1024xf32>
    %get3A_58 = vector.shape_cast %get3A_57 : vector<1x768x1024xf32> to vector<768x1024xf32>
    %dot_general3A = arith.constant dense<0.000000e+00> : vector<136x1024xf32>
    %dot_general3A_59 = tpu.matmul %get3A_53, %get3A_58, %dot_general3A {dimension_numbers = #tpu.dot_dimension_numbers<[1], [0], [0], [1], [0, 0, 1, 1], [], []>, transpose_lhs_hint = false} : vector<136x768xf32>, vector<768x1024xf32>, vector<136x1024xf32> -> vector<136x1024xf32>
    %get3A_60 = arith.constant 0 : index
    %get3A_61 = arith.constant 0 : index
    %get3A_62 = arith.constant 0 : index
    %get3A_63 = vector.load %arg7[%get3A_60, %get3A_61, %get3A_62] : memref<1x1x1024xf32, #tpu.memory_space<vmem>>, vector<1x1x1024xf32>
    %get3A_64 = vector.shape_cast %get3A_63 : vector<1x1x1024xf32> to vector<1x1024xf32>
    %add3A_65 = vector.broadcast %get3A_64 : vector<1x1024xf32> to vector<136x1024xf32>
    %add3A_66 = arith.addf %dot_general3A_59, %add3A_65 : vector<136x1024xf32>
    %max3A = arith.constant 0.000000e+00 : f32
    %max3A_67 = vector.broadcast %max3A : f32 to vector<136x1024xf32>
    %max3A_68 = arith.maximumf %add3A_66, %max3A_67 : vector<136x1024xf32>
    %get3A_69 = arith.constant 0 : index
    %get3A_70 = arith.constant 0 : index
    %get3A_71 = arith.constant 0 : index
    %get3A_72 = vector.load %arg6[%get3A_69, %get3A_70, %get3A_71] : memref<1x768x1024xf32, #tpu.memory_space<vmem>>, vector<1x768x1024xf32>
    %get3A_73 = vector.shape_cast %get3A_72 : vector<1x768x1024xf32> to vector<768x1024xf32>
    %dot_general3A_74 = arith.constant dense<0.000000e+00> : vector<136x1024xf32>
    %dot_general3A_75 = tpu.matmul %get3A_53, %get3A_73, %dot_general3A_74 {dimension_numbers = #tpu.dot_dimension_numbers<[1], [0], [0], [1], [0, 0, 1, 1], [], []>, transpose_lhs_hint = false} : vector<136x768xf32>, vector<768x1024xf32>, vector<136x1024xf32> -> vector<136x1024xf32>
    %get3A_76 = arith.constant 0 : index
    %get3A_77 = arith.constant 0 : index
    %get3A_78 = arith.constant 0 : index
    %get3A_79 = vector.load %arg8[%get3A_76, %get3A_77, %get3A_78] : memref<1x1x1024xf32, #tpu.memory_space<vmem>>, vector<1x1x1024xf32>
    %get3A_80 = vector.shape_cast %get3A_79 : vector<1x1x1024xf32> to vector<1x1024xf32>
    %add3A_81 = vector.broadcast %get3A_80 : vector<1x1024xf32> to vector<136x1024xf32>
    %add3A_82 = arith.addf %dot_general3A_75, %add3A_81 : vector<136x1024xf32>
    %max3A_83 = arith.constant 0.000000e+00 : f32
    %max3A_84 = vector.broadcast %max3A_83 : f32 to vector<136x1024xf32>
    %max3A_85 = arith.maximumf %add3A_82, %max3A_84 : vector<136x1024xf32>
    %get3A_86 = arith.constant 0 : index
    %get3A_87 = arith.constant 0 : index
    %get3A_88 = arith.constant 0 : index
    %get3A_89 = vector.load %arg9[%get3A_86, %get3A_87, %get3A_88] : memref<1x1024x768xf32, #tpu.memory_space<vmem>>, vector<1x1024x768xf32>
    %get3A_90 = vector.shape_cast %get3A_89 : vector<1x1024x768xf32> to vector<1024x768xf32>
    %dot_general3A_91 = arith.constant dense<0.000000e+00> : vector<136x768xf32>
    %dot_general3A_92 = tpu.matmul %max3A_68, %get3A_90, %dot_general3A_91 {dimension_numbers = #tpu.dot_dimension_numbers<[1], [0], [0], [1], [0, 0, 1, 1], [], []>, transpose_lhs_hint = false} : vector<136x1024xf32>, vector<1024x768xf32>, vector<136x768xf32> -> vector<136x768xf32>
    %get3A_93 = arith.constant 0 : index
    %get3A_94 = arith.constant 0 : index
    %get3A_95 = arith.constant 0 : index
    %get3A_96 = vector.load %arg10[%get3A_93, %get3A_94, %get3A_95] : memref<1x1024x768xf32, #tpu.memory_space<vmem>>, vector<1x1024x768xf32>
    %get3A_97 = vector.shape_cast %get3A_96 : vector<1x1024x768xf32> to vector<1024x768xf32>
    %dot_general3A_98 = arith.constant dense<0.000000e+00> : vector<136x768xf32>
    %dot_general3A_99 = tpu.matmul %max3A_85, %get3A_97, %dot_general3A_98 {dimension_numbers = #tpu.dot_dimension_numbers<[1], [0], [0], [1], [0, 0, 1, 1], [], []>, transpose_lhs_hint = false} : vector<136x1024xf32>, vector<1024x768xf32>, vector<136x768xf32> -> vector<136x768xf32>
    %add3A_100 = arith.addf %dot_general3A_92, %dot_general3A_99 : vector<136x768xf32>
    %get3A_101 = arith.constant 0 : index
    %get3A_102 = arith.constant 0 : index
    %get3A_103 = arith.constant 0 : index
    %get3A_104 = vector.load %arg11[%get3A_101, %get3A_102, %get3A_103] : memref<1x1x768xf32, #tpu.memory_space<vmem>>, vector<1x1x768xf32>
    %get3A_105 = vector.shape_cast %get3A_104 : vector<1x1x768xf32> to vector<1x768xf32>
    %add3A_106 = vector.broadcast %get3A_105 : vector<1x768xf32> to vector<136x768xf32>
    %add3A_107 = arith.addf %add3A_100, %add3A_106 : vector<136x768xf32>
    %jit3A_108 = arith.constant 2 : i32
    %eq3A_109 = arith.constant 0 : i32
    %eq3A_110 = arith.cmpi eq, %jit3A_108, %eq3A_109 : i32
    %jit3A_111 = arith.constant 1 : i32
    %select_n3A_112 = arith.select %eq3A_110, %jit3A_111, %jit3A_108 : i32
    %rem3A_113 = arith.remsi %arg0, %select_n3A_112 : i32
    %ne3A_114 = arith.constant 0 : i32
    %ne3A_115 = arith.cmpi ne, %rem3A_113, %ne3A_114 : i32
    %lt3A_116 = arith.constant 0 : i32
    %lt3A_117 = arith.cmpi slt, %rem3A_113, %lt3A_116 : i32
    %lt3A_118 = arith.constant 0 : i32
    %lt3A_119 = arith.cmpi slt, %select_n3A_112, %lt3A_118 : i32
    %ne3A_120 = arith.xori %lt3A_117, %lt3A_119 : i1
    %and3A_121 = arith.andi %ne3A_120, %ne3A_115 : i1
    %add3A_122 = arith.addi %rem3A_113, %select_n3A_112 : i32
    %select_n3A_123 = arith.select %and3A_121, %add3A_122, %rem3A_113 : i32
    %get3A_124 = arith.index_cast %select_n3A_123 : i32 to index
    %get3A_125 = arith.constant 0 : index
    %get3A_126 = arith.constant 0 : index
    %get3A_127 = vector.load %arg14[%get3A_124, %get3A_125, %get3A_126] : memref<2x136x1xf32, #tpu.memory_space<vmem>>, vector<1x136x1xf32>
    %get3A_128 = vector.shape_cast %get3A_127 : vector<1x136x1xf32> to vector<136x1xf32>
    %mul3A = vector.broadcast %get3A_128 : vector<136x1xf32> to vector<136x768xf32>
    %mul3A_129 = arith.mulf %add3A_107, %mul3A : vector<136x768xf32>
    %swap3A = arith.constant 0 : index
    %swap3A_130 = arith.constant 0 : index
    %swap3A_131 = vector.load %arg12[%swap3A, %swap3A_130] : memref<136x768xf32, #tpu.memory_space<vmem>>, vector<136x768xf32>
    tpu.vector_store %arg12[%swap3A, %swap3A_130], %mul3A_129 {strides = array<i32>} : memref<136x768xf32, #tpu.memory_space<vmem>>, vector<136x768xf32>,
    return
  }
  func.func @transform_2(%arg0: i32, %arg1: memref<95xi32, #tpu.memory_space<smem>>, %arg2: memref<95xi32, #tpu.memory_space<smem>>) -> (i32, i32, i32) {
    %get3A = arith.index_cast %arg0 : i32 to index
    %get3A_0 = memref.load %arg2[%get3A] : memref<95xi32, #tpu.memory_space<smem>>
    %c0_i32 = arith.constant 0 : i32
    %c0_i32_1 = arith.constant 0 : i32
    %c0_i32_2 = arith.constant 0 : i32
    return %get3A_0, %c0_i32, %c0_i32_1 : i32, i32, i32
  }
  func.func @transform_3(%arg0: i32, %arg1: memref<95xi32, #tpu.memory_space<smem>>, %arg2: memref<95xi32, #tpu.memory_space<smem>>) -> (i32, i32, i32) {
    %get3A = arith.index_cast %arg0 : i32 to index
    %get3A_0 = memref.load %arg2[%get3A] : memref<95xi32, #tpu.memory_space<smem>>
    %c0_i32 = arith.constant 0 : i32
    %c1_i32 = arith.constant 1 : i32
    %c0_i32_1 = arith.constant 0 : i32
    return %get3A_0, %c0_i32, %c1_i32 : i32, i32, i32
  }
  func.func @transform_4(%arg0: i32, %arg1: memref<95xi32, #tpu.memory_space<smem>>, %arg2: memref<95xi32, #tpu.memory_space<smem>>) -> (i32, i32, i32) {
    %get3A = arith.index_cast %arg0 : i32 to index
    %get3A_0 = memref.load %arg2[%get3A] : memref<95xi32, #tpu.memory_space<smem>>
    %c0_i32 = arith.constant 0 : i32
    %c0_i32_1 = arith.constant 0 : i32
    %c0_i32_2 = arith.constant 0 : i32
    return %get3A_0, %c0_i32, %c0_i32_1 : i32, i32, i32
  }
  func.func @transform_5(%arg0: i32, %arg1: memref<95xi32, #tpu.memory_space<smem>>, %arg2: memref<95xi32, #tpu.memory_space<smem>>) -> (i32, i32, i32) {
    %get3A = arith.index_cast %arg0 : i32 to index
    %get3A_0 = memref.load %arg2[%get3A] : memref<95xi32, #tpu.memory_space<smem>>
    %c0_i32 = arith.constant 0 : i32
    %c1_i32 = arith.constant 1 : i32
    %c0_i32_1 = arith.constant 0 : i32
    return %get3A_0, %c0_i32, %c1_i32 : i32, i32, i32
  }
  func.func @transform_6(%arg0: i32, %arg1: memref<95xi32, #tpu.memory_space<smem>>, %arg2: memref<95xi32, #tpu.memory_space<smem>>) -> (i32, i32, i32) {
    %get3A = arith.index_cast %arg0 : i32 to index
    %get3A_0 = memref.load %arg2[%get3A] : memref<95xi32, #tpu.memory_space<smem>>
    %c0_i32 = arith.constant 0 : i32
    %c0_i32_1 = arith.constant 0 : i32
    %c0_i32_2 = arith.constant 0 : i32
    return %get3A_0, %c0_i32, %c0_i32_1 : i32, i32, i32
  }
  func.func @transform_7(%arg0: i32, %arg1: memref<95xi32, #tpu.memory_space<smem>>, %arg2: memref<95xi32, #tpu.memory_space<smem>>) -> (i32, i32, i32) {
    %get3A = arith.index_cast %arg0 : i32 to index
    %get3A_0 = memref.load %arg2[%get3A] : memref<95xi32, #tpu.memory_space<smem>>
    %c1_i32 = arith.constant 1 : i32
    %c0_i32 = arith.constant 0 : i32
    %c0_i32_1 = arith.constant 0 : i32
    return %get3A_0, %c1_i32, %c0_i32 : i32, i32, i32
  }
  func.func @transform_8(%arg0: i32, %arg1: memref<95xi32, #tpu.memory_space<smem>>, %arg2: memref<95xi32, #tpu.memory_space<smem>>) -> (i32, i32, i32) {
    %get3A = arith.index_cast %arg0 : i32 to index
    %get3A_0 = memref.load %arg2[%get3A] : memref<95xi32, #tpu.memory_space<smem>>
    %c0_i32 = arith.constant 0 : i32
    %c0_i32_1 = arith.constant 0 : i32
    %c0_i32_2 = arith.constant 0 : i32
    return %get3A_0, %c0_i32, %c0_i32_1 : i32, i32, i32
  }
  func.func @transform_9(%arg0: i32, %arg1: memref<95xi32, #tpu.memory_space<smem>>, %arg2: memref<95xi32, #tpu.memory_space<smem>>) -> (i32, i32) {
    %c0_i32 = arith.constant 0 : i32
    %c0_i32_0 = arith.constant 0 : i32
    return %arg0, %c0_i32 : i32, i32
  }
}

</mosaic_0001>

<sc_bundles>
// kernel: gather_offload_async_start
scs
__scs_entry_jumppad:
0x0: {  	(pc) =	sbr.rel $0x88, $3  }
0x1: {  	(tag) =	ssettag $0x0;
	lr =	simm.s32 $0x1  }
0x2: {  	[smem:$0x3F9B] =	sst lr;
	_ =	strace $0xD0000000  }
0x3: {  	_ = 	snop  }
0x4: {  	_ = 	snop  }
0x5: {  	_ = 	snop  }
0x6: {  	_ = 	snop  }
0x7: {  	_ = 	snop  }
__scs_overlays_trampoline_lowered:
0x8: {  	[smem:$0x3FAA] =	sst s0  }
0x9: {  	[smem:$0x3FAB] =	sst s1  }
0xa: {  	[smem:$0x3FAC] =	sst s2  }
0xb: {  	[smem:$0x3FAD] =	sst s3  }
0xc: {  	[smem:$0x3FAE] =	sst s4  }
0xd: {  	[smem:$0x3FAF] =	sst s5  }
0xe: {  	[smem:$0x3FB0] =	sst s6  }
0xf: {  	[smem:$0x3FB1] =	sst s7  }
0x10: {  	[smem:$0x3FB2] =	sst s8  }
0x11: {  	[smem:$0x3FB3] =	sst s9;
	s0 =	simm.s32 @!p0 $0x0  }
0x12: {  	s1 =	sld [smem:$0x3F99];
	s0 =	simm.s32 @p0 $0x1  }
0x13: {  	[smem:$0x3FB4] =	sst s0;
	s0 =	simm.s32 @!p1 $0x0  }
0x14: {  	s2 =	sld [smem:$0x3F98];
	s0 =	simm.s32 @p1 $0x1  }
0x15: {  	[smem:$0x3FB5] =	sst s0;
	s0 =	simm.s32 @!p2 $0x0  }
0x16: {  	s3 =	sld [smem:$0x3FDB];
	s0 =	simm.s32 @p2 $0x1  }
0x17: {  	s4 =	simm.s32 $0x1BF5;
	[smem:$0x3FB7] =	sst s0  }
0x18: {  	s0 =	sld [smem:$0x3F9A];
	_ =	swait.ge [sflag:s4], $0x0  }
0x19: {  	s7 =	sld [smem:$0x3F9B]  }
0x1a: {  	s8 =	sadd.s32 $0xFFFFE003, lr  }
0x1b: {  	s9 =	sadd.s32 $0xFFFFFEF7, lr;
	s5 =	simm.s32 $0xFFFFFFFF;
	p2 =	slt.u32 s8, $0xFFFFF086  }
0x1c: {  	p1 =	slt.u32 s9, $0xF7A;
	s5 =	simm.s32 @!p2 $0x0  }
0x1d: {  	s5 =	simm.s32 @p1 $0x1;
	p0 =	seq.s32 s7, s2  }
0x1e: {  	s7 =	smul.u32 @!p0 $0xF7A, s2;
	p2 =	seq.s32 @!p0 s5, $0x0  }
0x1f: {  	s9 =	smul.u32 $0xF7A, s1;
	s8 =	simm.s32 @!p0 $0x1BF5;
	p2 =	por !p2, p0  }
0x20: {  	[sflag:s8] =	ssyncset.s32 @!p0 $0xFFFFF086;
	s6 =	sadd.s32 @!p0 s3, s7;
	s7 =	simm.s32 @!p0 $0x108  }
0x21: {  	s3 =	sadd.s32 s3, s9;
	s6 =	sadd.s32 @!p0 $0x88, s6;
	s7 =	simm.s32 @p2 $0x1082  }
0x22: {  	[simem:s7], [sflag:s8] =	dma.local @!p0 [hbm:s6], $0xF7A  }
0x23: {  	s9 =	sor.u32 $0xD0000000, s2;
	s6 =	simm.s32 $0x108;
	_ =	swait.ge @!p0 [sflag:s8], $0x0  }
0x24: {  	s3 =	sadd.s32 $0x88, s3;
	s6 =	simm.s32 @!p1 $0x1082;
	[sflag:s4] =	ssyncset.s32 $0xFFFFF086  }
0x25: {  	[simem:s6], [sflag:s4] =	dma.local [hbm:s3], $0xF7A  }
0x26: {  	[smem:$0x3F9B] =	sst s1;
	(tag) =	ssettag s2;
	_ =	strace s9  }
0x27: {  	s1 =	sld [smem:$0x3FAB]  }
0x28: {  	s2 =	sld [smem:$0x3FAC]  }
0x29: {  	s4 =	sld [smem:$0x3FAE]  }
0x2a: {  	p0 =	seq.s32 s5, $0x0;
	s5 =	sld [smem:$0x3FAF]  }
0x2b: {  	s6 =	sld [smem:$0x3FB0]  }
0x2c: {  	s7 =	sld [smem:$0x3FB1]  }
0x2d: {  	s3 =	simm.s32 $0x108;
	s8 =	sld [smem:$0x3FB2]  }
0x2e: {  	s3 =	simm.s32 @!p0 $0x1082;
	s9 =	sld [smem:$0x3FB3]  }
0x2f: {  	lr =	sadd.s32 s0, s3;
	s0 =	sld [smem:$0x3FAA]  }
0x30: {  	s3 =	sld [smem:$0x3FAD]  }
0x31: {  	[smem:$0x3FB6] =	sst s10  }
0x32: {  	s10 =	sld [smem:$0x3FB4];
	_ =	sdelay $0x3  }
0x33: {  	p0 =	seq.s32 s10, $0x1;
	s10 =	sld [smem:$0x3FB6];
	_ =	sdelay $0x3  }
0x34: {  	[smem:$0x3FB6] =	sst s10  }
0x35: {  	s10 =	sld [smem:$0x3FB5];
	_ =	sdelay $0x3  }
0x36: {  	p1 =	seq.s32 s10, $0x1;
	s10 =	sld [smem:$0x3FB6];
	_ =	sdelay $0x3  }
0x37: {  	[smem:$0x3FB6] =	sst s10  }
0x38: {  	s10 =	sld [smem:$0x3FB7]  }
0x39: {  	_ = 	snop;
	(pc) =	sbr.ind lr, $3  }
0x3a: {  	_ = 	snop  }
0x3b: {  	_ = 	snop  }
0x3c: {  	p2 =	seq.s32 s10, $0x1;
	s10 =	sld [smem:$0x3FB6]  }
0x3d: {  	_ =	shalt  }
0x3e: {  	_ =	shalt  }
0x3f: {  	_ =	shalt  }
0x40: {  	_ =	shalt  }
0x41: {  	_ =	shalt  }
0x42: {  	_ =	shalt  }
0x43: {  	_ =	shalt  }
0x44: {  	_ =	shalt  }
0x45: {  	_ =	shalt  }
0x46: {  	_ =	shalt  }
0x47: {  	_ =	shalt  }
0x48: {  	_ =	shalt  }
0x49: {  	_ =	shalt  }
0x4a: {  	_ =	shalt  }
0x4b: {  	_ =	shalt  }
0x4c: {  	_ =	shalt  }
0x4d: {  	_ =	shalt  }
0x4e: {  	_ =	shalt  }
0x4f: {  	_ =	shalt  }
0x50: {  	_ =	shalt  }
0x51: {  	_ =	shalt  }
0x52: {  	_ =	shalt  }
0x53: {  	_ =	shalt  }
0x54: {  	_ =	shalt  }
0x55: {  	_ =	shalt  }
0x56: {  	_ =	shalt  }
0x57: {  	_ =	shalt  }
0x58: {  	_ =	shalt  }
0x59: {  	_ =	shalt  }
0x5a: {  	_ =	shalt  }
0x5b: {  	_ =	shalt  }
0x5c: {  	_ =	shalt  }
0x5d: {  	_ =	shalt  }
0x5e: {  	_ =	shalt  }
0x5f: {  	_ =	shalt  }
0x60: {  	_ =	shalt  }
0x61: {  	_ =	shalt  }
0x62: {  	_ =	shalt  }
0x63: {  	_ =	shalt  }
0x64: {  	_ =	shalt  }
0x65: {  	_ =	shalt  }
0x66: {  	_ =	shalt  }
0x67: {  	_ =	shalt  }
0x68: {  	_ =	shalt  }
0x69: {  	_ =	shalt  }
0x6a: {  	_ =	shalt  }
0x6b: {  	_ =	shalt  }
0x6c: {  	_ =	shalt  }
0x6d: {  	_ =	shalt  }
0x6e: {  	_ =	shalt  }
0x6f: {  	_ =	shalt  }
0x70: {  	_ =	shalt  }
0x71: {  	_ =	shalt  }
0x72: {  	_ =	shalt  }
0x73: {  	_ =	shalt  }
0x74: {  	_ =	shalt  }
0x75: {  	_ =	shalt  }
0x76: {  	_ =	shalt  }
0x77: {  	_ =	shalt  }
0x78: {  	_ =	shalt  }
0x79: {  	_ =	shalt  }
0x7a: {  	_ =	shalt  }
0x7b: {  	_ =	shalt  }
0x7c: {  	_ =	shalt  }
0x7d: {  	_ =	shalt  }
0x7e: {  	_ =	shalt  }
0x7f: {  	_ =	shalt  }
0x80: {  	_ =	shalt  }
0x81: {  	_ =	shalt  }
0x82: {  	_ =	shalt  }
0x83: {  	_ =	shalt  }
0x84: {  	_ =	shalt  }
0x85: {  	_ =	shalt  }
0x86: {  	_ =	shalt  }
0x87: {  	_ =	shalt  }
.Lfunc_end0:
.L_simem_size_0:
called_computation_lowered:
.L_overlay_start_0:
0x88: {  	s2 =	sld [smem:$0x3FD9]  }
0x89: {  	s3 =	sld [smem:$0x3FFE];
	_ =	sdelay $0x1  }
0x8a: {  	s1 =	srdreg.scid  }
0x8b: {  	s0 =	sand.u32 $0x1, s1  }
0x8c: {  	s16 =	sshll.u32 s0, $0xA;
	s2 =	sadd.s32 s3, s2  }
0x8d: {  	s2 =	sadd.s32 s2, s16  }
0x8e: {  	[smem:$0x3FC2] =	sst s2  }
0x8f: {  	_ = 	snop  }
0x90: {  	(tm) =	ssettm $0x1  }
0x91: {  	s17 =	sld [smem:$0x3FFB];
	_ =	sdelay $0x3  }
0x92: {  	_ =	strace s17  }
0x93: {  	s2 =	sld [smem:$0x3FFC];
	_ =	sdelay $0x3  }
0x94: {  	_ =	strace s2  }
0x95: {  	s2 =	sld [smem:$0x3FFD];
	_ =	sdelay $0x3  }
0x96: {  	_ =	strace s2  }
0x97: {  	_ =	strace $0x8FFFFFFF  }
0x98: {  	s18 =	sld [smem:$0x3FDB];
	_ =	sdelay $0x1  }
0x99: {  	s19 =	simm.s32 $_scs_section_size  }
0x9a: {  	s4 =	simm.s32 $_size__tile_overlayer_lowered;
	s5 =	simm.s32 $_tile_overlayer_lowered  }
0x9b: {  	s22 =	simm.s32 $0x1BFF;
	s21 =	sshll.u32 s5, $0x1;
	s2 =	sadd.s32 s19, s18  }
0x9c: {  	s6 =	simm.s32 $0x0;
	s20 =	sshll.u32 s4, $0x1;
	s4 =	sadd.s32 s21, s2  }
0x9d: {  	[timem:s6], [sflag:s22] =	dma.local [hbm:s4], s20  }
0x9e: {  	_ =	swait.ge [sflag:s22], s20  }
0x9f: {  	s3 =	ssub.s32 $0x0, s20;
	[sflag:s22] =	ssyncset.done $0x0  }
0xa0: {  	[sflag:s22] =	ssyncadd.s32 s3;
	_ =	sdelay $0x1  }
0xa1: {  	s23 =	simm.s32 $0x1B8B  }
0xa2: {  	_ =	swait.ge [sflag:s23], $0x1  }
0xa3: {  	[sflag:s23] =	ssyncset.done $0x0  }
0xa4: {  	s25 =	simm.s32 $0x1B8E;
	s24 =	sld [smem:$0x3FFE];
	[sflag:s23] =	ssyncadd.s32 $0xFFFFFFFF  }
0xa5: {  	s26 =	simm.s32 $execute0_lowered;
	[smem:$0x3FD2] =	sst s25  }
0xa6: {  	s4 =	sshll.u32 s26, $0x1;
	_ =	strace $0x80000046;
	[dreg:$0x1] =	wrdreg $0xFFFFFFFF  }
0xa7: {  	s28 =	simm.s32 $_size_execute0_lowered;
	s2 =	sadd.s32 s2, s4;
	[dreg:$0x0] =	wrdreg $0x0  }
0xa8: {  	s4 =	sshll.u32 s28, $0x1;
	[dreg:$0x2] =	wrdreg s2  }
0xa9: {  	[dreg:$0x3] =	wrdreg s4  }
0xaa: {  	[dreg:$0x4] =	wrdreg $0xC0  }
0xab: {  	_ =	task [dreg:s6], $0x5FFFF  }
0xac: {  	[dreg:$0x1] =	wrdreg $0xFFFFFFFF  }
0xad: {  	[dreg:$0x0] =	wrdreg $0x60  }
0xae: {  	[dreg:$0x2] =	wrdreg s24  }
0xaf: {  	[dreg:$0x3] =	wrdreg $0x9  }
0xb0: {  	_ =	task.clear_ibuf [dreg:s6], $0x4FFFF;
	_ =	strace $0x90000046  }
0xb1: {  	s29 =	simm.s32 $0x9;
	_ =	strace $0x80000048  }
0xb2: {  	_ =	swait.ge [sflag:s29], $0x1  }
0xb3: {  	[sflag:s29] =	ssyncadd.s32 $0xFFFFFFFF  }
0xb4: {  	_ =	strace $0x90000048  }
0xb5: {  	_ =	sfence  }
0xb6: {  	s30 =	sld [smem:$0x0];
	_ =	sdelay $0x2  }
0xb7: {  	s31 =	sshll.u32 s1, $0xD;
	s1 =	sshrl.u32 s1, $0x2  }
0xb8: {  	s3 =	sand.u32 $0x4000, s31;
	s1 =	sadd.s32 s1, s30  }
0xb9: {  	s0 =	sor.u32 s3, s0;
	s1 =	sshll.u32 s1, $0x11  }
0xba: {  	s0 =	sor.u32 s1, s0  }
0xbb: {  	s0 =	sadd.s32 $0x8F2B, s0  }
0xbc: {  	[sflag:s0] =	ssyncadd.remote.s32 $0x1  }
0xbd: {  	_ =	sfence.sel $0xFFFF  }
0xbe: {  	[dreg:$0x0] =	wrdreg $0xFFFFFFFF;
	(pc) =	sbr.abs _section_cstart, $3  }
0xbf: {  	[dreg:$0x1] =	wrdreg $0xFFFFFFFF  }
0xc0: {  	_ =	task.clear_ibuf [dreg:s6], $0x2FFFF;
	_ =	strace $0x9FFFFFFF  }
0xc1: {  	(tm) =	ssettm $0x7FFFFFFF  }
tec
execute0_lowered:
.L_overlay_start_1:
0x0: {  	(tag) =	ssettag $0x1  }
0x1: {  	s1 =	srdreg.scid  }
0x2: {  	s0 =	stileid.u32;
	s2 =	rddreg [dreg:$0x0];
	s6 =	simm.s32 $0x1  }
0x3: {  	s9 =	simm.s32 $0x1;
	s10 =	simm.s32 $0x3;
	s1 =	sshll.u32 s1, $0x6  }
0x4: {  	s13 =	simm.s32 $0x0;
	s3 =	sshll.u32 s0, $0x7;
	s4 =	sand.u32 $0x40, s1  }
0x5: {  	s12 =	simm.s32 $0x0;
	s5 =	sadd.s32 $0x400, s2;
	s3 =	sor.u32 s3, s4  }
0x6: {  	s1 =	rddreg [dreg:$0x1];
	_ =	strace $0x80000047;
	s8 =	ssub.s32 $0x1000, s3  }
.Ltmp0:
0x7: {  	s4 =	sadd.s32 $0x200, s2;
	s7 =	sand.u32 $0x7C0, s8;
	(pc) =	sbr.rel .LBB2_1-.Ltmp0, $4  }
0x8: {  	[sflag:s6] =	ssyncpa.u1 $0x0;
	s11 =	smov.u32 s3;
	p0 =	sne.s32 s7, $0x0  }
0x9: {  	s8 =	sshrl.u32 s8, $0xB;
	s7 =	simm.s32 $0x2;
	s9 =	simm.s32 @!p0 $0x0  }
0xa: {  	[sflag:s7] =	ssyncpa.u1 $0x0;
	p0 =	por $0x0, $0x0;
	s8 =	sadd.s32 s9, s8  }
0xb: {  	vm0 =	vmmov $0xffff;
	[sflag:s10] =	ssyncpa.u1 $0x0;
	s10 =	simm.s32 $0x0;
	s9 =	sadd.s32 $0x1, s8  }
.LBB2_4:
0xc: {  	v2 =	vnsel vm1, $0x0, v2  }
0xd: {  	vm1 =	vgt.s32 v0, $0x0;
	v2 =	vmin.u32 v2, $0xFFF  }
0xe: {  	v0 =	vnsel vm1, $0x0, v0  }
0xf: {  	v0 =	vmin.u32 v0, $0xFFF  }
0x10: {  	[tilespmem:s15], [sflag:$0x1] =	stream.indirect_vreg.gather [hbm4b:s2+s10], $0x1, v1, vm0, $0x4038;
	[tilespmem:$0x100] =	vst v63  }
0x11: {  	(ifvalue) =	ssetifvalue $0x7FFFFFFF  }
0x12: {  	[tilespmem:s16], [sflag:$0x1] =	stream.indirect_vreg.gather [hbm4b:s2+s10], $0x1, v2, vm0, $0x4038;
	[tilespmem:$0x100] =	vst v63  }
0x13: {  	s29 =	sadd.s32 $0x10, s16;
	(ifvalue) =	ssetifvalue $0x7FFFFFFF  }
0x14: {  	[tilespmem:s29], [sflag:$0x1] =	stream.indirect_vreg.gather [hbm4b:s2+s10], $0x1, v0, vm0, $0x4038;
	[tilespmem:$0x100] =	vst v63  }
0x15: {  	_ =	swait.ge [sflag:s6], $0x40  }
0x16: {  	s30 =	sshrl.u32 s13, $0x3;
	[sflag:s6] =	ssyncset.done $0x0  }
0x17: {  	s31 =	sand.u32 $0x7, s13;
	s15 =	sadd.s32 s5, s30;
	[sflag:s6] =	ssyncadd.s32 $0xFFFFFFC0  }
0x18: {  	[hbm4b:s15+s31] =	stream.linear.scatter [tilespmem:s14], [sflag:$0x3], $0x40, $0x38;
	[tilespmem:$0x100] =	vst v63  }
.LBB2_5:
0x19: {  	s15 =	sadd.s32 $0x800, s11  }
0x1a: {  	p2 =	sgt.s32 s15, $0xFFF  }
0x1b: {  	s15 =	smov.u32 @p2 s3;
	p2 =	sne.s32 s12, s9  }
.Ltmp1:
0x1c: {  	p1 =	slt.u32 s12, $0x2;
	(pc) =	sbr.rel @!p2 .LBB2_6-.Ltmp1, $4  }
0x1d: {  	s14 =	simm.s32 @!p1 $0x3  }
0x1e: {  	s16 =	sadd.s32 $0x1, s12;
	_ =	swait.ge @!p1 [sflag:s14], $0x40  }
0x1f: {  	s13 =	smov.u32 s11;
	p0 =	por !p0, !p0;
	[sflag:s14] =	ssyncset.done @!p1 $0x0  }
0x20: {  	s12 =	smov.u32 s16;
	s11 =	smov.u32 s15;
	[sflag:s14] =	ssyncadd.s32 @!p1 $0xFFFFFFC0  }
.LBB2_1:
0x21: {  	p1 =	sge.u32 s12, s8  }
0x22: {  	s14 =	sxor.u32 @!p1 $0xFFFFFFFF, s12  }
0x23: {  	s31 =	sadd.s32 $0xFFFFFFFF, s12;
	s15 =	sshrl.u32 @!p1 s11, $0x3;
	s14 =	sshll.u32 @!p1 s14, $0x6  }
0x24: {  	s16 =	sand.u32 @!p1 $0x7, s11;
	s15 =	sadd.s32 @!p1 s4, s15;
	s14 =	sand.u32 @!p1 $0x40, s14  }
0x25: {  	[tilespmem:s14], [sflag:$0x2] =	stream.linear.gather @!p1 [hbm4b:s15+s16], $0x40, $0x38;
	[tilespmem:$0x100] =	vst v63  }
0x26: {  	p1 =	sge.u32 s31, s8  }
.Ltmp2:
0x27: {  	_ = 	snop;
	(pc) =	sbr.rel @p1 .LBB2_5-.Ltmp2, $1  }
0x28: {  	_ =	sdelay $0x3  }
0x29: {  	s14 =	simm.s32 $0x1  }
0x2a: {  	_ =	swait.ge [sflag:s7], $0x40;
	s14 =	simm.s32 @!p0 $0x0  }
0x2b: {  	[sflag:s7] =	ssyncset.done $0x0;
	s14 =	sshll.u32 s14, $0x6  }
0x2c: {  	[sflag:s7] =	ssyncadd.s32 $0xFFFFFFC0;
	(ifvalue) =	ssetifvalue $0x7FFFFFFF;
	v0 =	vld.msk [tilespmem:s14+$0x0 ss:$0x1], $0xffff;
	_ =	sdelay $0x4  }
0x2d: {  	s15 =	sadd.s32 $0x10, s14;
	vm1 =	vgt.s32 v0, $0x0  }
0x2e: {  	v2 =	vld.msk [tilespmem:s15+$0x0 ss:$0x1], $0xffff;
	v1 =	vnsel vm1, $0x0, v0  }
0x2f: {  	v1 =	vmin.u32 v1, $0xFFF;
	_ =	sdelay $0x1  }
0x30: {  	s16 =	sshll.u32 s12, $0x6;
	s18 =	simm.s32 $0x20  }
0x31: {  	s16 =	sand.u32 $0x40, s16;
	s17 =	sadd.s32 $0x10, s15;
	s15 =	sor.u32 $0x80, s14  }
0x32: {  	s14 =	sor.u32 $0x80, s16;
	s16 =	sadd.s32 $0x10, s15;
	v0 =	vld.msk [tilespmem:s17+$0x0 ss:$0x1], $0xffff;
	vm1 =	vgt.s32 v2, $0x0;
	(ifvalue) =	ssetifvalue $0x7FFFFFFF  }
.LBB2_3:
0x33: {  	[tilespmem:s15], [sflag:$0x1] =	stream.indirect_vreg.gather [hbm4b:s2+s10], $0x1, v1, vm0, $0x4038;
	[tilespmem:$0x100] =	vst v63  }
0x34: {  	s18 =	sadd.s32 $0x10, s18  }
0x35: {  	v2 =	vnsel vm1, $0x0, v2;
	p1 =	slt.u32 s18, $0x30  }
.Ltmp3:
0x36: {  	s15 =	smov.u32 s16;
	v1 =	vmin.u32 v2, $0xFFF;
	(pc) =	sbr.rel @p1 .LBB2_3-.Ltmp3, $3  }
0x37: {  	_ =	sdelay $0x1  }
0x38: {  	s17 =	sadd.s32 $0x10, s17  }
0x39: {  	vm1 =	vgt.s32 v0, $0x0;
	s16 =	sadd.s32 $0x10, s16;
	v2 =	vmov v0;
	(ifvalue) =	ssetifvalue $0x7FFFFFFF;
	v0 =	vld.msk [tilespmem:s17+$0x0 ss:$0x1], $0xffff  }
.Ltmp4:
0x3a: {  	_ = 	snop;
	(pc) =	sbr.rel .LBB2_4-.Ltmp4, $1  }
0x3b: {  	_ =	sdelay $0x3  }
.LBB2_6:
0x3c: {  	_ =	sfence.sel $0x180000  }
0x3d: {  	s2 =	simm.s32 $0x2;
	[bflag:$0x0] =	sbarrier.arrive $0xFFFF  }
0x3e: {  	s30 =	simm.s32 $0x3;
	[sflag:s2] =	ssyncpa.u1 $0x1  }
0x3f: {  	s31 =	simm.s32 $0x1;
	[sflag:s30] =	ssyncpa.u1 $0x1  }
0x40: {  	[sflag:s31] =	ssyncpa.u1 $0x1  }
0x41: {  	p0 =	sne.s32 s0, $0x0;
	_ =	strace $0x90000047  }
0x42: {  	s0 =	sadd.s32 @!p0 $0x100000, s1;
	[bflag:$0x2] =	sbarrier.arrive $0xFFFF  }
0x43: {  	[sflag:s0] =	ssyncadd.tile.s32 @!p0 $0x1;
	_ =	shalt  }
.Lfunc_end2:
_tile_overlayer_lowered:
.L_overlay_start_2:
0x44: {  	(tag) =	ssettag $0x2  }
0x45: {  	s0 =	rddreg [dreg:$0x0];
	s2 =	stileid.u32  }
0x46: {  	s1 =	rddreg [dreg:$0x1];
	p0 =	sne.s32 s2, $0x0  }
0x47: {  	s3 =	rddreg [dreg:$0x2];
	[bflag:$0x3] =	sbarrier.arrive $0xFFFF;
	s2 =	simm.s32 @!p0 $0x1C01  }
0x48: {  	[timem:s3], [sflag:s2] =	dma.local @!p0 [hbm:s0], s1  }
0x49: {  	s0 =	simm.s32 @!p0 $0x1  }
0x4a: {  	_ =	swait.ge @!p0 [sflag:s0], s1  }
0x4b: {  	s1 =	ssub.s32 @!p0 $0x0, s1;
	[sflag:s0] =	ssyncset.done @!p0 $0x0  }
0x4c: {  	[sflag:s0] =	ssyncadd.s32 @!p0 s1  }
0x4d: {  	[bflag:$0x3] =	sbarrier.arrive $0xFFFF  }
0x4e: {  	_ =	shalt  }

// kernel: kernel.6.cloned.1.call-start
scs
__scs_entry_jumppad:
0x0: {  	(pc) =	sbr.rel $0x88, $3  }
0x1: {  	(tag) =	ssettag $0x0;
	lr =	simm.s32 $0x1  }
0x2: {  	[smem:$0x3F9B] =	sst lr;
	_ =	strace $0xD0000000  }
0x3: {  	_ = 	snop  }
0x4: {  	_ = 	snop  }
0x5: {  	_ = 	snop  }
0x6: {  	_ = 	snop  }
0x7: {  	_ = 	snop  }
__scs_overlays_trampoline_lowered:
0x8: {  	[smem:$0x3FAA] =	sst s0  }
0x9: {  	[smem:$0x3FAB] =	sst s1  }
0xa: {  	[smem:$0x3FAC] =	sst s2  }
0xb: {  	[smem:$0x3FAD] =	sst s3  }
0xc: {  	[smem:$0x3FAE] =	sst s4  }
0xd: {  	[smem:$0x3FAF] =	sst s5  }
0xe: {  	[smem:$0x3FB0] =	sst s6  }
0xf: {  	[smem:$0x3FB1] =	sst s7  }
0x10: {  	[smem:$0x3FB2] =	sst s8  }
0x11: {  	[smem:$0x3FB3] =	sst s9;
	s0 =	simm.s32 @!p0 $0x0  }
0x12: {  	s1 =	sld [smem:$0x3F99];
	s0 =	simm.s32 @p0 $0x1  }
0x13: {  	[smem:$0x3FB4] =	sst s0;
	s0 =	simm.s32 @!p1 $0x0  }
0x14: {  	s2 =	sld [smem:$0x3F98];
	s0 =	simm.s32 @p1 $0x1  }
0x15: {  	[smem:$0x3FB5] =	sst s0;
	s0 =	simm.s32 @!p2 $0x0  }
0x16: {  	s3 =	sld [smem:$0x3FDB];
	s0 =	simm.s32 @p2 $0x1  }
0x17: {  	s4 =	simm.s32 $0x1BF5;
	[smem:$0x3FB7] =	sst s0  }
0x18: {  	s0 =	sld [smem:$0x3F9A];
	_ =	swait.ge [sflag:s4], $0x0  }
0x19: {  	s7 =	sld [smem:$0x3F9B]  }
0x1a: {  	s8 =	sadd.s32 $0xFFFFE003, lr  }
0x1b: {  	s9 =	sadd.s32 $0xFFFFFEF7, lr;
	s5 =	simm.s32 $0xFFFFFFFF;
	p2 =	slt.u32 s8, $0xFFFFF086  }
0x1c: {  	p1 =	slt.u32 s9, $0xF7A;
	s5 =	simm.s32 @!p2 $0x0  }
0x1d: {  	s5 =	simm.s32 @p1 $0x1;
	p0 =	seq.s32 s7, s2  }
0x1e: {  	s7 =	smul.u32 @!p0 $0xF7A, s2;
	p2 =	seq.s32 @!p0 s5, $0x0  }
0x1f: {  	s9 =	smul.u32 $0xF7A, s1;
	s8 =	simm.s32 @!p0 $0x1BF5;
	p2 =	por !p2, p0  }
0x20: {  	[sflag:s8] =	ssyncset.s32 @!p0 $0xFFFFF086;
	s6 =	sadd.s32 @!p0 s3, s7;
	s7 =	simm.s32 @!p0 $0x108  }
0x21: {  	s3 =	sadd.s32 s3, s9;
	s6 =	sadd.s32 @!p0 $0x88, s6;
	s7 =	simm.s32 @p2 $0x1082  }
0x22: {  	[simem:s7], [sflag:s8] =	dma.local @!p0 [hbm:s6], $0xF7A  }
0x23: {  	s9 =	sor.u32 $0xD0000000, s2;
	s6 =	simm.s32 $0x108;
	_ =	swait.ge @!p0 [sflag:s8], $0x0  }
0x24: {  	s3 =	sadd.s32 $0x88, s3;
	s6 =	simm.s32 @!p1 $0x1082;
	[sflag:s4] =	ssyncset.s32 $0xFFFFF086  }
0x25: {  	[simem:s6], [sflag:s4] =	dma.local [hbm:s3], $0xF7A  }
0x26: {  	[smem:$0x3F9B] =	sst s1;
	(tag) =	ssettag s2;
	_ =	strace s9  }
0x27: {  	s1 =	sld [smem:$0x3FAB]  }
0x28: {  	s2 =	sld [smem:$0x3FAC]  }
0x29: {  	s4 =	sld [smem:$0x3FAE]  }
0x2a: {  	p0 =	seq.s32 s5, $0x0;
	s5 =	sld [smem:$0x3FAF]  }
0x2b: {  	s6 =	sld [smem:$0x3FB0]  }
0x2c: {  	s7 =	sld [smem:$0x3FB1]  }
0x2d: {  	s3 =	simm.s32 $0x108;
	s8 =	sld [smem:$0x3FB2]  }
0x2e: {  	s3 =	simm.s32 @!p0 $0x1082;
	s9 =	sld [smem:$0x3FB3]  }
0x2f: {  	lr =	sadd.s32 s0, s3;
	s0 =	sld [smem:$0x3FAA]  }
0x30: {  	s3 =	sld [smem:$0x3FAD]  }
0x31: {  	[smem:$0x3FB6] =	sst s10  }
0x32: {  	s10 =	sld [smem:$0x3FB4];
	_ =	sdelay $0x3  }
0x33: {  	p0 =	seq.s32 s10, $0x1;
	s10 =	sld [smem:$0x3FB6];
	_ =	sdelay $0x3  }
0x34: {  	[smem:$0x3FB6] =	sst s10  }
0x35: {  	s10 =	sld [smem:$0x3FB5];
	_ =	sdelay $0x3  }
0x36: {  	p1 =	seq.s32 s10, $0x1;
	s10 =	sld [smem:$0x3FB6];
	_ =	sdelay $0x3  }
0x37: {  	[smem:$0x3FB6] =	sst s10  }
0x38: {  	s10 =	sld [smem:$0x3FB7]  }
0x39: {  	_ = 	snop;
	(pc) =	sbr.ind lr, $3  }
0x3a: {  	_ = 	snop  }
0x3b: {  	_ = 	snop  }
0x3c: {  	p2 =	seq.s32 s10, $0x1;
	s10 =	sld [smem:$0x3FB6]  }
0x3d: {  	_ =	shalt  }
0x3e: {  	_ =	shalt  }
0x3f: {  	_ =	shalt  }
0x40: {  	_ =	shalt  }
0x41: {  	_ =	shalt  }
0x42: {  	_ =	shalt  }
0x43: {  	_ =	shalt  }
0x44: {  	_ =	shalt  }
0x45: {  	_ =	shalt  }
0x46: {  	_ =	shalt  }
0x47: {  	_ =	shalt  }
0x48: {  	_ =	shalt  }
0x49: {  	_ =	shalt  }
0x4a: {  	_ =	shalt  }
0x4b: {  	_ =	shalt  }
0x4c: {  	_ =	shalt  }
0x4d: {  	_ =	shalt  }
0x4e: {  	_ =	shalt  }
0x4f: {  	_ =	shalt  }
0x50: {  	_ =	shalt  }
0x51: {  	_ =	shalt  }
0x52: {  	_ =	shalt  }
0x53: {  	_ =	shalt  }
0x54: {  	_ =	shalt  }
0x55: {  	_ =	shalt  }
0x56: {  	_ =	shalt  }
0x57: {  	_ =	shalt  }
0x58: {  	_ =	shalt  }
0x59: {  	_ =	shalt  }
0x5a: {  	_ =	shalt  }
0x5b: {  	_ =	shalt  }
0x5c: {  	_ =	shalt  }
0x5d: {  	_ =	shalt  }
0x5e: {  	_ =	shalt  }
0x5f: {  	_ =	shalt  }
0x60: {  	_ =	shalt  }
0x61: {  	_ =	shalt  }
0x62: {  	_ =	shalt  }
0x63: {  	_ =	shalt  }
0x64: {  	_ =	shalt  }
0x65: {  	_ =	shalt  }
0x66: {  	_ =	shalt  }
0x67: {  	_ =	shalt  }
0x68: {  	_ =	shalt  }
0x69: {  	_ =	shalt  }
0x6a: {  	_ =	shalt  }
0x6b: {  	_ =	shalt  }
0x6c: {  	_ =	shalt  }
0x6d: {  	_ =	shalt  }
0x6e: {  	_ =	shalt  }
0x6f: {  	_ =	shalt  }
0x70: {  	_ =	shalt  }
0x71: {  	_ =	shalt  }
0x72: {  	_ =	shalt  }
0x73: {  	_ =	shalt  }
0x74: {  	_ =	shalt  }
0x75: {  	_ =	shalt  }
0x76: {  	_ =	shalt  }
0x77: {  	_ =	shalt  }
0x78: {  	_ =	shalt  }
0x79: {  	_ =	shalt  }
0x7a: {  	_ =	shalt  }
0x7b: {  	_ =	shalt  }
0x7c: {  	_ =	shalt  }
0x7d: {  	_ =	shalt  }
0x7e: {  	_ =	shalt  }
0x7f: {  	_ =	shalt  }
0x80: {  	_ =	shalt  }
0x81: {  	_ =	shalt  }
0x82: {  	_ =	shalt  }
0x83: {  	_ =	shalt  }
0x84: {  	_ =	shalt  }
0x85: {  	_ =	shalt  }
0x86: {  	_ =	shalt  }
0x87: {  	_ =	shalt  }
.Lfunc_end0:
.L_simem_size_0:
called_computation.1_lowered:
.L_overlay_start_0:
0x88: {  	s2 =	sld [smem:$0x3FD9]  }
0x89: {  	s3 =	sld [smem:$0x3FFE];
	_ =	sdelay $0x1  }
0x8a: {  	s1 =	srdreg.scid  }
0x8b: {  	s0 =	sand.u32 $0x1, s1  }
0x8c: {  	s17 =	sshll.u32 s0, $0xA;
	s2 =	sadd.s32 s3, s2  }
0x8d: {  	s2 =	sadd.s32 s2, s17  }
0x8e: {  	[smem:$0x3FC2] =	sst s2  }
0x8f: {  	_ = 	snop  }
0x90: {  	s4 =	sld [smem:$0x3FC9]  }
0x91: {  	s18 =	sld [smem:$0x3FD0];
	(tm) =	ssettm $0x1  }
0x92: {  	s19 =	sld [smem:$0x3FFB];
	_ =	sdelay $0x3  }
0x93: {  	_ =	strace s19  }
0x94: {  	s2 =	sld [smem:$0x3FFC];
	_ =	sdelay $0x3  }
0x95: {  	_ =	strace s2  }
0x96: {  	s2 =	sld [smem:$0x3FFD];
	_ =	sdelay $0x3  }
0x97: {  	_ =	strace s2  }
0x98: {  	_ =	strace $0x8FFFFFFF  }
0x99: {  	s20 =	sld [smem:$0x3FDB];
	_ =	sdelay $0x1  }
0x9a: {  	s5 =	simm.s32 $_scs_section_size  }
0x9b: {  	s6 =	simm.s32 $_size__tile_overlayer_lowered;
	s7 =	simm.s32 $_tile_overlayer_lowered  }
0x9c: {  	s8 =	simm.s32 $0x1BFF;
	s21 =	sshll.u32 s7, $0x1;
	s5 =	sadd.s32 s5, s20  }
0x9d: {  	s22 =	simm.s32 $0x0;
	s6 =	sshll.u32 s6, $0x1;
	s7 =	sadd.s32 s21, s5  }
0x9e: {  	[timem:s22], [sflag:s8] =	dma.local [hbm:s7], s6  }
0x9f: {  	_ =	swait.ge [sflag:s8], s6  }
0xa0: {  	s6 =	ssub.s32 $0x0, s6;
	[sflag:s8] =	ssyncset.done $0x0  }
0xa1: {  	[sflag:s8] =	ssyncadd.s32 s6;
	_ =	sdelay $0x1  }
0xa2: {  	s23 =	simm.s32 $0x1B8B  }
0xa3: {  	_ =	swait.ge [sflag:s23], $0x1  }
0xa4: {  	[sflag:s23] =	ssyncset.done $0x0  }
0xa5: {  	[sflag:s23] =	ssyncadd.s32 $0xFFFFFFFF  }
0xa6: {  	s6 =	sld [smem:$0x0]  }
0xa7: {  	s7 =	sand.u32 $0xFFFFFFFE, s1  }
0xa8: {  	p0 =	sne.s32 s1, s7  }
0xa9: {  	s7 =	sshll.u32 @p0 s7, $0xE  }
0xaa: {  	s7 =	sadd.s32 @p0 $0x11B8D, s7;
	s8 =	sshll.u32 @p0 s6, $0x11  }
0xab: {  	s7 =	sor.u32 @p0 s8, s7  }
0xac: {  	[sflag:s7] =	ssyncadd.remote.s32 @p0 $0x1;
	_ =	sdelay $0x1  }
0xad: {  	s7 =	simm.s32 @p0 $0x1B8D  }
0xae: {  	_ =	swait.eq @p0 [sflag:s7], $0x1  }
0xaf: {  	[sflag:s7] =	ssyncadd.s32 @p0 $0xFFFFFFFF  }
0xb0: {  	s8 =	sshll.u32 @!p0 s1, $0xE  }
0xb1: {  	s8 =	sor.u32 @!p0 $0x4000, s8;
	s7 =	simm.s32 @!p0 $0x1B8D  }
0xb2: {  	s6 =	sshll.u32 @!p0 s6, $0x11;
	s8 =	sadd.s32 @!p0 $0x11B8D, s8;
	_ =	swait.eq @!p0 [sflag:s7], $0x1  }
0xb3: {  	s6 =	sor.u32 @!p0 s6, s8;
	[sflag:s7] =	ssyncadd.s32 @!p0 $0xFFFFFFFF  }
0xb4: {  	s25 =	simm.s32 $0x1B8E;
	s24 =	sld [smem:$0x3FFE];
	[sflag:s6] =	ssyncadd.remote.s32 @!p0 $0x1  }
0xb5: {  	s26 =	simm.s32 $execute0_lowered;
	[smem:$0x3FD2] =	sst s25  }
0xb6: {  	s7 =	sshll.u32 s26, $0x1;
	_ =	strace $0x80000049;
	[dreg:$0x1] =	wrdreg $0xFFFFFFFF  }
0xb7: {  	s28 =	simm.s32 $_size_execute0_lowered;
	s5 =	sadd.s32 s5, s7;
	[dreg:$0x0] =	wrdreg $0x0  }
0xb8: {  	s7 =	sshll.u32 s28, $0x1;
	[dreg:$0x2] =	wrdreg s5  }
0xb9: {  	[dreg:$0x3] =	wrdreg s7  }
0xba: {  	[dreg:$0x4] =	wrdreg $0xC0  }
0xbb: {  	_ =	task [dreg:s22], $0x5FFFF  }
0xbc: {  	[dreg:$0x1] =	wrdreg $0xFFFFFFFF  }
0xbd: {  	[dreg:$0x0] =	wrdreg $0x60  }
0xbe: {  	[dreg:$0x2] =	wrdreg s4  }
0xbf: {  	[dreg:$0x3] =	wrdreg s24  }
0xc0: {  	[dreg:$0x4] =	wrdreg s18  }
0xc1: {  	[dreg:$0x5] =	wrdreg $0xA  }
0xc2: {  	_ =	task.clear_ibuf [dreg:s22], $0x6FFFF;
	_ =	strace $0x90000049  }
0xc3: {  	s29 =	simm.s32 $0xA;
	_ =	strace $0x8000004B  }
0xc4: {  	_ =	swait.ge [sflag:s29], $0x1  }
0xc5: {  	[sflag:s29] =	ssyncadd.s32 $0xFFFFFFFF  }
0xc6: {  	_ =	strace $0x9000004B  }
0xc7: {  	_ =	sfence  }
0xc8: {  	s30 =	sld [smem:$0x0];
	_ =	sdelay $0x2  }
0xc9: {  	s31 =	sshll.u32 s1, $0xD;
	s1 =	sshrl.u32 s1, $0x2  }
0xca: {  	s4 =	sand.u32 $0x4000, s31;
	s1 =	sadd.s32 s1, s30  }
0xcb: {  	s0 =	sor.u32 s4, s0;
	s1 =	sshll.u32 s1, $0x11  }
0xcc: {  	s0 =	sor.u32 s1, s0  }
0xcd: {  	s0 =	sadd.s32 $0x8F2B, s0  }
0xce: {  	[sflag:s0] =	ssyncadd.remote.s32 $0x1  }
0xcf: {  	_ =	sfence.sel $0xFFFF  }
0xd0: {  	[dreg:$0x0] =	wrdreg $0xFFFFFFFF;
	(pc) =	sbr.abs _section_cstart, $3  }
0xd1: {  	[dreg:$0x1] =	wrdreg $0xFFFFFFFF  }
0xd2: {  	_ =	task.clear_ibuf [dreg:s22], $0x2FFFF;
	_ =	strace $0x9FFFFFFF  }
0xd3: {  	(tm) =	ssettm $0x7FFFFFFF  }
tec
execute0_lowered:
.L_overlay_start_1:
0x0: {  	(tag) =	ssettag $0x1  }
0x1: {  	s1 =	rddreg [dreg:$0x0]  }
0x2: {  	s2 =	rddreg [dreg:$0x1];
	s3 =	srdreg.scid  }
0x3: {  	s4 =	rddreg [dreg:$0x2];
	s5 =	sand.u32 $0x1, s3;
	s3 =	simm.s32 $0x0  }
0x4: {  	s20 =	simm.s32 $0x900;
	[smem:$0x7FF] =	sst s3  }
0x5: {  	s21 =	simm.s32 $0x1100;
	_ =	strace $0x8000004A;
	[dreg:$0x7] =	wrdreg s20  }
0x6: {  	s22 =	simm.s32 $0x1900;
	[dreg:$0x8] =	wrdreg s21  }
0x7: {  	s23 =	simm.s32 $0x2100;
	[dreg:$0x9] =	wrdreg s22  }
0x8: {  	s24 =	simm.s32 $0x2900;
	[dreg:$0xa] =	wrdreg s23  }
0x9: {  	s25 =	simm.s32 $0x3100;
	[dreg:$0xb] =	wrdreg s24  }
0xa: {  	s0 =	stileid.u32;
	s26 =	simm.s32 $0x3900;
	[dreg:$0xc] =	wrdreg s25  }
0xb: {  	s16 =	sshll.u32 s0, $0x1;
	s0 =	simm.s32 $0x4100;
	[dreg:$0xd] =	wrdreg s26  }
0xc: {  	s9 =	simm.s32 $0x6900;
	s10 =	simm.s32 $0x7100;
	[dreg:$0xe] =	wrdreg s0  }
0xd: {  	s11 =	simm.s32 $0x7900;
	s12 =	simm.s32 $0x8100;
	[dreg:$0x13] =	wrdreg s9  }
0xe: {  	s13 =	simm.s32 $0x8900;
	s14 =	simm.s32 $0x9100;
	[dreg:$0x14] =	wrdreg s10  }
0xf: {  	s15 =	simm.s32 $0x9900;
	s28 =	simm.s32 $0x17100;
	[dreg:$0x15] =	wrdreg s11  }
0x10: {  	s29 =	simm.s32 $0x17900;
	s30 =	simm.s32 $0x2;
	[dreg:$0x16] =	wrdreg s12  }
0x11: {  	s31 =	simm.s32 $0x3;
	s6 =	sor.u32 s5, s16;
	[dreg:$0x17] =	wrdreg s13  }
0x12: {  	s16 =	simm.s32 $0xA100;
	s8 =	smul.u32 $0x18000, s6;
	[dreg:$0x18] =	wrdreg s14  }
0x13: {  	s7 =	sshll.u32 s6, $0x5;
	s6 =	smul.u32 $0x3000, s6;
	[dreg:$0x19] =	wrdreg s15  }
0x14: {  	[dreg:$0x1a] =	wrdreg s16;
	s21 =	simm.s32 $0xB900;
	s22 =	simm.s32 $0xC900  }
0x15: {  	s23 =	simm.s32 $0xD100;
	s24 =	simm.s32 $0xD900;
	s25 =	simm.s32 $0xE100  }
0x16: {  	s26 =	simm.s32 $0xE900;
	s9 =	simm.s32 $0x1;
	[dreg:$0x1d] =	wrdreg s21  }
0x17: {  	s10 =	simm.s32 $0xC100;
	s12 =	simm.s32 $0xF900;
	[dreg:$0x1e] =	wrdreg s22  }
0x18: {  	s13 =	simm.s32 $0x10100;
	s14 =	simm.s32 $0x10900;
	[dreg:$0x1f] =	wrdreg s23  }
0x19: {  	s15 =	simm.s32 $0x11100;
	s16 =	simm.s32 $0x11900;
	[smem:$0x7FB] =	sst s24  }
0x1a: {  	s2 =	sadd.s32 s7, s2;
	s7 =	simm.s32 $0x5900;
	[smem:$0x7FC] =	sst s25  }
0x1b: {  	[smem:$0x7FD] =	sst s26;
	s21 =	simm.s32 $0x14100;
	s22 =	simm.s32 $0x14900  }
0x1c: {  	s23 =	simm.s32 $0x15100;
	s24 =	simm.s32 $0x15900;
	s25 =	simm.s32 $0x16100  }
0x1d: {  	s26 =	simm.s32 $0x16900;
	s2 =	sadd.s32 $0x600, s2;
	[dreg:$0x11] =	wrdreg s7  }
0x1e: {  	s17 =	sshrl.u32 s8, $0x3;
	s18 =	sadd.s32 s4, s6;
	[dreg:$0x4] =	wrdreg s2  }
0x1f: {  	s6 =	simm.s32 $0x5100;
	s8 =	simm.s32 $0x6100;
	[dreg:$0x5] =	wrdreg s18  }
0x20: {  	s7 =	simm.s32 $0x5;
	s4 =	sadd.s32 s4, s17;
	[dreg:$0x10] =	wrdreg s6  }
0x21: {  	[dreg:$0x12] =	wrdreg s8;
	s17 =	ssub.s32 $0x2, s5;
	s18 =	simm.s32 $0xA900  }
0x22: {  	s8 =	simm.s32 $0x100;
	s19 =	sadd.s32 $0x1800, s4;
	[dreg:$0x1b] =	wrdreg s18  }
0x23: {  	s2 =	simm.s32 $0x4;
	s4 =	simm.s32 $0x4900;
	[dreg:$0x6] =	wrdreg s19  }
0x24: {  	s5 =	sshrl.u32 s17, $0x1;
	s18 =	simm.s32 $0x12900;
	[dreg:$0xf] =	wrdreg s4  }
0x25: {  	v2 =	vlaneseq.u32;
	s19 =	simm.s32 $0xB100;
	s20 =	ssub.s32 s17, s5;
	s4 =	sadd.s32 $0x100, s1  }
0x26: {  	vm0 =	vmmov $0xffff;
	v1 =	vshrl.u32 v2, $0x3;
	s5 =	sadd.s32 $0x200, s1;
	s17 =	simm.s32 $0x12100;
	[dreg:$0x1c] =	wrdreg s19  }
0x27: {  	v0 =	vand.u32 $0x7, v2;
	v2 =	vor.u32 $0x8, v2;
	v1 =	vmul.u32 $0x8, v1;
	s6 =	smax.u32 s20, $0x1;
	s19 =	simm.s32 $0x13100;
	s20 =	simm.s32 $0x13900  }
.LBB2_1:
0x28: {  	s0 =	rddreg [dreg:$0x4]  }
0x29: {  	[tilespmem:s3], [sflag:$0x5] =	stream.linear.gather [hbm4b:s0+s3], $0x100, $0x38;
	[tilespmem:$0x18100] =	vst v63  }
0x2a: {  	_ =	swait.ge [sflag:s7], $0x100  }
0x2b: {  	[sflag:s7] =	ssyncset.done $0x0  }
0x2c: {  	[sflag:s7] =	ssyncadd.s32 $0xFFFFFF00  }
0x2d: {  	v3 =	vld [tilespmem:$0x0];
	_ =	sdelay $0x4  }
0x2e: {  	v4 =	vshrl.u32 v3, $0x3  }
0x2f: {  	v4 =	vmul.u32 $0x30, v4  }
0x30: {  	v3 =	vand.u32 $0x7, v3  }
0x31: {  	v3 =	vor.u32 v3, v4  }
0x32: {  	v4 =	vperm.xlane v3, v0;
	_ =	sdelay $0x1  }
0x33: {  	v4 =	vadd.s32 v1, v4;
	_ =	sdelay $0x3  }
0x34: {  	v3 =	vperm.xlane v3, v2  }
0x35: {  	[tilespmem:s8], [sflag:$0x1] =	stream.indirect_vreg.gather [hbm4b:s1+s3], $0x80, v4, vm0, $0xb8;
	[tilespmem:$0x18100] =	vst v63  }
0x36: {  	s0 =	rddreg [dreg:$0x7];
	v3 =	vadd.s32 v1, v3  }
0x37: {  	[tilespmem:s0], [sflag:$0x1] =	stream.indirect_vreg.gather [hbm4b:s4+s3], $0x80, v4, vm0, $0xb8;
	[tilespmem:$0x18100] =	vst v63  }
0x38: {  	s11 =	rddreg [dreg:$0x8]  }
0x39: {  	[tilespmem:s11], [sflag:$0x1] =	stream.indirect_vreg.gather [hbm4b:s5+s3], $0x80, v4, vm0, $0xb8;
	[tilespmem:$0x18100] =	vst v63  }
0x3a: {  	s0 =	rddreg [dreg:$0x9]  }
0x3b: {  	[tilespmem:s0], [sflag:$0x1] =	stream.indirect_vreg.gather [hbm4b:s1+s3], $0x80, v3, vm0, $0xb8;
	[tilespmem:$0x18100] =	vst v63  }
0x3c: {  	s11 =	rddreg [dreg:$0xa]  }
0x3d: {  	[tilespmem:s11], [sflag:$0x1] =	stream.indirect_vreg.gather [hbm4b:s4+s3], $0x80, v3, vm0, $0xb8;
	[tilespmem:$0x18100] =	vst v63  }
0x3e: {  	s0 =	rddreg [dreg:$0xb]  }
0x3f: {  	[tilespmem:s0], [sflag:$0x1] =	stream.indirect_vreg.gather [hbm4b:s5+s3], $0x80, v3, vm0, $0xb8;
	[tilespmem:$0x18100] =	vst v63  }
0x40: {  	v3 =	vld [tilespmem:$0x10];
	_ =	sdelay $0x4  }
0x41: {  	v57 =	vshrl.u32 v3, $0x3  }
0x42: {  	v4 =	vmul.u32 $0x30, v57  }
0x43: {  	v3 =	vand.u32 $0x7, v3  }
0x44: {  	v3 =	vor.u32 v3, v4  }
0x45: {  	v4 =	vperm.xlane v3, v0;
	_ =	sdelay $0x1  }
0x46: {  	v4 =	vadd.s32 v1, v4;
	_ =	sdelay $0x3  }
0x47: {  	s0 =	rddreg [dreg:$0xc];
	v3 =	vperm.xlane v3, v2  }
0x48: {  	[tilespmem:s0], [sflag:$0x1] =	stream.indirect_vreg.gather [hbm4b:s1+s3], $0x80, v4, vm0, $0xb8;
	[tilespmem:$0x18100] =	vst v63  }
0x49: {  	s11 =	rddreg [dreg:$0xd];
	v3 =	vadd.s32 v1, v3  }
0x4a: {  	[tilespmem:s11], [sflag:$0x1] =	stream.indirect_vreg.gather [hbm4b:s4+s3], $0x80, v4, vm0, $0xb8;
	[tilespmem:$0x18100] =	vst v63  }
0x4b: {  	s0 =	rddreg [dreg:$0xe]  }
0x4c: {  	[tilespmem:s0], [sflag:$0x1] =	stream.indirect_vreg.gather [hbm4b:s5+s3], $0x80, v4, vm0, $0xb8;
	[tilespmem:$0x18100] =	vst v63  }
0x4d: {  	s11 =	rddreg [dreg:$0xf]  }
0x4e: {  	[tilespmem:s11], [sflag:$0x1] =	stream.indirect_vreg.gather [hbm4b:s1+s3], $0x80, v3, vm0, $0xb8;
	[tilespmem:$0x18100] =	vst v63  }
0x4f: {  	s0 =	rddreg [dreg:$0x10]  }
0x50: {  	[tilespmem:s0], [sflag:$0x1] =	stream.indirect_vreg.gather [hbm4b:s4+s3], $0x80, v3, vm0, $0xb8;
	[tilespmem:$0x18100] =	vst v63  }
0x51: {  	s11 =	rddreg [dreg:$0x11]  }
0x52: {  	[tilespmem:s11], [sflag:$0x1] =	stream.indirect_vreg.gather [hbm4b:s5+s3], $0x80, v3, vm0, $0xb8;
	[tilespmem:$0x18100] =	vst v63  }
0x53: {  	v3 =	vld [tilespmem:$0x20];
	_ =	sdelay $0x4  }
0x54: {  	v58 =	vshrl.u32 v3, $0x3  }
0x55: {  	v4 =	vmul.u32 $0x30, v58  }
0x56: {  	v3 =	vand.u32 $0x7, v3  }
0x57: {  	v3 =	vor.u32 v3, v4  }
0x58: {  	v4 =	vperm.xlane v3, v0;
	_ =	sdelay $0x1  }
0x59: {  	v4 =	vadd.s32 v1, v4;
	_ =	sdelay $0x3  }
0x5a: {  	s0 =	rddreg [dreg:$0x12];
	v3 =	vperm.xlane v3, v2  }
0x5b: {  	[tilespmem:s0], [sflag:$0x1] =	stream.indirect_vreg.gather [hbm4b:s1+s3], $0x80, v4, vm0, $0xb8;
	[tilespmem:$0x18100] =	vst v63  }
0x5c: {  	s11 =	rddreg [dreg:$0x13];
	v3 =	vadd.s32 v1, v3  }
0x5d: {  	[tilespmem:s11], [sflag:$0x1] =	stream.indirect_vreg.gather [hbm4b:s4+s3], $0x80, v4, vm0, $0xb8;
	[tilespmem:$0x18100] =	vst v63  }
0x5e: {  	s0 =	rddreg [dreg:$0x14]  }
0x5f: {  	[tilespmem:s0], [sflag:$0x1] =	stream.indirect_vreg.gather [hbm4b:s5+s3], $0x80, v4, vm0, $0xb8;
	[tilespmem:$0x18100] =	vst v63  }
0x60: {  	s11 =	rddreg [dreg:$0x15]  }
0x61: {  	[tilespmem:s11], [sflag:$0x1] =	stream.indirect_vreg.gather [hbm4b:s1+s3], $0x80, v3, vm0, $0xb8;
	[tilespmem:$0x18100] =	vst v63  }
0x62: {  	s0 =	rddreg [dreg:$0x16]  }
0x63: {  	[tilespmem:s0], [sflag:$0x1] =	stream.indirect_vreg.gather [hbm4b:s4+s3], $0x80, v3, vm0, $0xb8;
	[tilespmem:$0x18100] =	vst v63  }
0x64: {  	s11 =	rddreg [dreg:$0x17]  }
0x65: {  	[tilespmem:s11], [sflag:$0x1] =	stream.indirect_vreg.gather [hbm4b:s5+s3], $0x80, v3, vm0, $0xb8;
	[tilespmem:$0x18100] =	vst v63  }
0x66: {  	v3 =	vld [tilespmem:$0x30];
	_ =	sdelay $0x4  }
0x67: {  	v59 =	vshrl.u32 v3, $0x3  }
0x68: {  	v4 =	vmul.u32 $0x30, v59  }
0x69: {  	v3 =	vand.u32 $0x7, v3  }
0x6a: {  	v3 =	vor.u32 v3, v4  }
0x6b: {  	v4 =	vperm.xlane v3, v0;
	_ =	sdelay $0x1  }
0x6c: {  	v4 =	vadd.s32 v1, v4;
	_ =	sdelay $0x3  }
0x6d: {  	s0 =	rddreg [dreg:$0x18];
	v3 =	vperm.xlane v3, v2  }
0x6e: {  	[tilespmem:s0], [sflag:$0x1] =	stream.indirect_vreg.gather [hbm4b:s1+s3], $0x80, v4, vm0, $0xb8;
	[tilespmem:$0x18100] =	vst v63  }
0x6f: {  	s11 =	rddreg [dreg:$0x19];
	v3 =	vadd.s32 v1, v3  }
0x70: {  	[tilespmem:s11], [sflag:$0x1] =	stream.indirect_vreg.gather [hbm4b:s4+s3], $0x80, v4, vm0, $0xb8;
	[tilespmem:$0x18100] =	vst v63  }
0x71: {  	s0 =	rddreg [dreg:$0x1a]  }
0x72: {  	[tilespmem:s0], [sflag:$0x1] =	stream.indirect_vreg.gather [hbm4b:s5+s3], $0x80, v4, vm0, $0xb8;
	[tilespmem:$0x18100] =	vst v63  }
0x73: {  	s11 =	rddreg [dreg:$0x1b]  }
0x74: {  	[tilespmem:s11], [sflag:$0x1] =	stream.indirect_vreg.gather [hbm4b:s1+s3], $0x80, v3, vm0, $0xb8;
	[tilespmem:$0x18100] =	vst v63  }
0x75: {  	s0 =	rddreg [dreg:$0x1c]  }
0x76: {  	[tilespmem:s0], [sflag:$0x1] =	stream.indirect_vreg.gather [hbm4b:s4+s3], $0x80, v3, vm0, $0xb8;
	[tilespmem:$0x18100] =	vst v63  }
0x77: {  	s11 =	rddreg [dreg:$0x1d]  }
0x78: {  	[tilespmem:s11], [sflag:$0x1] =	stream.indirect_vreg.gather [hbm4b:s5+s3], $0x80, v3, vm0, $0xb8;
	[tilespmem:$0x18100] =	vst v63  }
0x79: {  	_ =	swait.ge [sflag:s9], $0xC000  }
0x7a: {  	[sflag:s9] =	ssyncset.done $0x0  }
0x7b: {  	[sflag:s9] =	ssyncadd.s32 $0xFFFF4000  }
0x7c: {  	v3 =	vld [tilespmem:$0x80];
	_ =	sdelay $0x4  }
0x7d: {  	v60 =	vshrl.u32 v3, $0x3  }
0x7e: {  	v4 =	vmul.u32 $0x30, v60  }
0x7f: {  	v3 =	vand.u32 $0x7, v3  }
0x80: {  	v3 =	vor.u32 v3, v4  }
0x81: {  	v4 =	vperm.xlane v3, v0;
	_ =	sdelay $0x1  }
0x82: {  	v4 =	vadd.s32 v1, v4;
	_ =	sdelay $0x3  }
0x83: {  	s0 =	rddreg [dreg:$0x1e];
	v3 =	vperm.xlane v3, v2  }
0x84: {  	[tilespmem:s10], [sflag:$0x2] =	stream.indirect_vreg.gather [hbm4b:s1+s3], $0x80, v4, vm0, $0xb8;
	[tilespmem:$0x18100] =	vst v63  }
0x85: {  	s11 =	rddreg [dreg:$0x1f];
	v3 =	vadd.s32 v1, v3  }
0x86: {  	[tilespmem:s0], [sflag:$0x2] =	stream.indirect_vreg.gather [hbm4b:s4+s3], $0x80, v4, vm0, $0xb8;
	[tilespmem:$0x18100] =	vst v63  }
0x87: {  	s0 =	sld [smem:$0x7FB]  }
0x88: {  	[tilespmem:s11], [sflag:$0x2] =	stream.indirect_vreg.gather [hbm4b:s5+s3], $0x80, v4, vm0, $0xb8;
	[tilespmem:$0x18100] =	vst v63  }
0x89: {  	s11 =	sld [smem:$0x7FC]  }
0x8a: {  	[tilespmem:s0], [sflag:$0x2] =	stream.indirect_vreg.gather [hbm4b:s1+s3], $0x80, v3, vm0, $0xb8;
	[tilespmem:$0x18100] =	vst v63  }
0x8b: {  	s0 =	sld [smem:$0x7FD]  }
0x8c: {  	[tilespmem:s11], [sflag:$0x2] =	stream.indirect_vreg.gather [hbm4b:s4+s3], $0x80, v3, vm0, $0xb8;
	[tilespmem:$0x18100] =	vst v63  }
0x8d: {  	_ = 	snop  }
0x8e: {  	[tilespmem:s0], [sflag:$0x2] =	stream.indirect_vreg.gather [hbm4b:s5+s3], $0x80, v3, vm0, $0xb8;
	[tilespmem:$0x18100] =	vst v63  }
0x8f: {  	v3 =	vld [tilespmem:$0x90];
	_ =	sdelay $0x4  }
0x90: {  	v61 =	vshrl.u32 v3, $0x3  }
0x91: {  	v4 =	vmul.u32 $0x30, v61  }
0x92: {  	v3 =	vand.u32 $0x7, v3  }
0x93: {  	v3 =	vor.u32 v3, v4  }
0x94: {  	v4 =	vperm.xlane v3, v0;
	_ =	sdelay $0x1  }
0x95: {  	v4 =	vadd.s32 v1, v4;
	_ =	sdelay $0x3  }
0x96: {  	s11 =	simm.s32 $0xF100;
	v3 =	vperm.xlane v3, v2  }
0x97: {  	[tilespmem:s11], [sflag:$0x2] =	stream.indirect_vreg.gather [hbm4b:s1+s3], $0x80, v4, vm0, $0xb8;
	[tilespmem:$0x18100] =	vst v63  }
0x98: {  	v3 =	vadd.s32 v1, v3  }
0x99: {  	[tilespmem:s12], [sflag:$0x2] =	stream.indirect_vreg.gather [hbm4b:s4+s3], $0x80, v4, vm0, $0xb8;
	[tilespmem:$0x18100] =	vst v63  }
0x9a: {  	_ = 	snop  }
0x9b: {  	[tilespmem:s13], [sflag:$0x2] =	stream.indirect_vreg.gather [hbm4b:s5+s3], $0x80, v4, vm0, $0xb8;
	[tilespmem:$0x18100] =	vst v63  }
0x9c: {  	_ = 	snop  }
0x9d: {  	[tilespmem:s14], [sflag:$0x2] =	stream.indirect_vreg.gather [hbm4b:s1+s3], $0x80, v3, vm0, $0xb8;
	[tilespmem:$0x18100] =	vst v63  }
0x9e: {  	_ = 	snop  }
0x9f: {  	[tilespmem:s15], [sflag:$0x2] =	stream.indirect_vreg.gather [hbm4b:s4+s3], $0x80, v3, vm0, $0xb8;
	[tilespmem:$0x18100] =	vst v63  }
0xa0: {  	_ = 	snop  }
0xa1: {  	[tilespmem:s16], [sflag:$0x2] =	stream.indirect_vreg.gather [hbm4b:s5+s3], $0x80, v3, vm0, $0xb8;
	[tilespmem:$0x18100] =	vst v63  }
0xa2: {  	v3 =	vld [tilespmem:$0xA0];
	_ =	sdelay $0x4  }
0xa3: {  	v62 =	vshrl.u32 v3, $0x3  }
0xa4: {  	v4 =	vmul.u32 $0x30, v62  }
0xa5: {  	v3 =	vand.u32 $0x7, v3  }
0xa6: {  	v3 =	vor.u32 v3, v4  }
0xa7: {  	v4 =	vperm.xlane v3, v0;
	_ =	sdelay $0x1  }
0xa8: {  	v4 =	vadd.s32 v1, v4;
	_ =	sdelay $0x3  }
0xa9: {  	v3 =	vperm.xlane v3, v2  }
0xaa: {  	[tilespmem:s17], [sflag:$0x2] =	stream.indirect_vreg.gather [hbm4b:s1+s3], $0x80, v4, vm0, $0xb8;
	[tilespmem:$0x18100] =	vst v63  }
0xab: {  	v3 =	vadd.s32 v1, v3  }
0xac: {  	[tilespmem:s18], [sflag:$0x2] =	stream.indirect_vreg.gather [hbm4b:s4+s3], $0x80, v4, vm0, $0xb8;
	[tilespmem:$0x18100] =	vst v63  }
0xad: {  	_ = 	snop  }
0xae: {  	[tilespmem:s19], [sflag:$0x2] =	stream.indirect_vreg.gather [hbm4b:s5+s3], $0x80, v4, vm0, $0xb8;
	[tilespmem:$0x18100] =	vst v63  }
0xaf: {  	_ = 	snop  }
0xb0: {  	[tilespmem:s20], [sflag:$0x2] =	stream.indirect_vreg.gather [hbm4b:s1+s3], $0x80, v3, vm0, $0xb8;
	[tilespmem:$0x18100] =	vst v63  }
0xb1: {  	_ = 	snop  }
0xb2: {  	[tilespmem:s21], [sflag:$0x2] =	stream.indirect_vreg.gather [hbm4b:s4+s3], $0x80, v3, vm0, $0xb8;
	[tilespmem:$0x18100] =	vst v63  }
0xb3: {  	_ = 	snop  }
0xb4: {  	[tilespmem:s22], [sflag:$0x2] =	stream.indirect_vreg.gather [hbm4b:s5+s3], $0x80, v3, vm0, $0xb8;
	[tilespmem:$0x18100] =	vst v63  }
0xb5: {  	v3 =	vld [tilespmem:$0xB0];
	_ =	sdelay $0x4  }
0xb6: {  	v63 =	vshrl.u32 v3, $0x3  }
0xb7: {  	v4 =	vmul.u32 $0x30, v63  }
0xb8: {  	v3 =	vand.u32 $0x7, v3  }
0xb9: {  	v3 =	vor.u32 v3, v4  }
0xba: {  	v4 =	vperm.xlane v3, v0;
	_ =	sdelay $0x1  }
0xbb: {  	v4 =	vadd.s32 v1, v4;
	_ =	sdelay $0x3  }
0xbc: {  	v3 =	vperm.xlane v3, v2  }
0xbd: {  	[tilespmem:s23], [sflag:$0x2] =	stream.indirect_vreg.gather [hbm4b:s1+s3], $0x80, v4, vm0, $0xb8;
	[tilespmem:$0x18100] =	vst v63  }
0xbe: {  	v3 =	vadd.s32 v1, v3  }
0xbf: {  	[tilespmem:s24], [sflag:$0x2] =	stream.indirect_vreg.gather [hbm4b:s4+s3], $0x80, v4, vm0, $0xb8;
	[tilespmem:$0x18100] =	vst v63  }
0xc0: {  	_ = 	snop  }
0xc1: {  	[tilespmem:s25], [sflag:$0x2] =	stream.indirect_vreg.gather [hbm4b:s5+s3], $0x80, v4, vm0, $0xb8;
	[tilespmem:$0x18100] =	vst v63  }
0xc2: {  	_ = 	snop  }
0xc3: {  	[tilespmem:s26], [sflag:$0x2] =	stream.indirect_vreg.gather [hbm4b:s1+s3], $0x80, v3, vm0, $0xb8;
	[tilespmem:$0x18100] =	vst v63  }
0xc4: {  	_ = 	snop  }
0xc5: {  	[tilespmem:s28], [sflag:$0x2] =	stream.indirect_vreg.gather [hbm4b:s4+s3], $0x80, v3, vm0, $0xb8;
	[tilespmem:$0x18100] =	vst v63  }
0xc6: {  	_ = 	snop  }
0xc7: {  	[tilespmem:s29], [sflag:$0x2] =	stream.indirect_vreg.gather [hbm4b:s5+s3], $0x80, v3, vm0, $0xb8;
	[tilespmem:$0x18100] =	vst v63  }
0xc8: {  	s11 =	rddreg [dreg:$0x5]  }
0xc9: {  	[hbm4b:s11+s3] =	stream.linear.scatter [tilespmem:s8], [sflag:$0x3], $0xC000, $0x38;
	[tilespmem:$0x18100] =	vst v63  }
0xca: {  	_ =	swait.ge [sflag:s30], $0xC000  }
0xcb: {  	[sflag:s30] =	ssyncset.done $0x0  }
0xcc: {  	[sflag:s30] =	ssyncadd.s32 $0xFFFF4000  }
0xcd: {  	_ =	swait.ge [sflag:s31], $0xC000  }
0xce: {  	p0 =	sne.s32 s6, $0x1;
	[sflag:s31] =	ssyncset.done $0x0  }
.Ltmp0:
0xcf: {  	s11 =	rddreg [dreg:$0x6];
	[sflag:s31] =	ssyncadd.s32 $0xFFFF4000;
	(pc) =	sbr.rel @p0 .LBB2_1-.Ltmp0, $4  }
0xd0: {  	[hbm4b:s11+s3] =	stream.linear.scatter [tilespmem:s10], [sflag:$0x4], $0xC000, $0x38;
	[tilespmem:$0x18100] =	vst v63  }
0xd1: {  	_ =	swait.ge [sflag:s2], $0xC000  }
0xd2: {  	[sflag:s2] =	ssyncset.done $0x0  }
0xd3: {  	s6 =	sadd.s32 $0xFFFFFFFF, s6;
	[sflag:s2] =	ssyncadd.s32 $0xFFFF4000  }
0xd4: {  	_ =	sfence.sel $0x180000  }
0xd5: {  	[bflag:$0x0] =	sbarrier.arrive $0xFFFF  }
0xd6: {  	_ =	strace $0x9000004A  }
0xd7: {  	s0 =	stileid.u32;
	[bflag:$0x2] =	sbarrier.arrive $0xFFFF  }
0xd8: {  	p0 =	sne.s32 s0, $0x0;
	s0 =	rddreg [dreg:$0x3]  }
0xd9: {  	s0 =	sadd.s32 @!p0 $0x100000, s0  }
0xda: {  	[sflag:s0] =	ssyncadd.tile.s32 @!p0 $0x1;
	_ =	shalt  }
.Lfunc_end2:
_tile_overlayer_lowered:
.L_overlay_start_2:
0xdb: {  	(tag) =	ssettag $0x2  }
0xdc: {  	s0 =	rddreg [dreg:$0x0];
	s2 =	stileid.u32  }
0xdd: {  	s1 =	rddreg [dreg:$0x1];
	p0 =	sne.s32 s2, $0x0  }
0xde: {  	s3 =	rddreg [dreg:$0x2];
	[bflag:$0x3] =	sbarrier.arrive $0xFFFF;
	s2 =	simm.s32 @!p0 $0x1C05  }
0xdf: {  	[timem:s3], [sflag:s2] =	dma.local @!p0 [hbm:s0], s1  }
0xe0: {  	s0 =	simm.s32 @!p0 $0x5  }
0xe1: {  	_ =	swait.ge @!p0 [sflag:s0], s1  }
0xe2: {  	s1 =	ssub.s32 @!p0 $0x0, s1;
	[sflag:s0] =	ssyncset.done @!p0 $0x0  }
0xe3: {  	[sflag:s0] =	ssyncadd.s32 @!p0 s1  }
0xe4: {  	[bflag:$0x3] =	sbarrier.arrive $0xFFFF  }
0xe5: {  	_ =	shalt  }

// kernel: kernel.9.cloned.1.call-start
scs
__scs_entry_jumppad:
0x0: {  	(pc) =	sbr.rel $0x88, $3  }
0x1: {  	(tag) =	ssettag $0x0;
	lr =	simm.s32 $0x1  }
0x2: {  	[smem:$0x3F9B] =	sst lr;
	_ =	strace $0xD0000000  }
0x3: {  	_ = 	snop  }
0x4: {  	_ = 	snop  }
0x5: {  	_ = 	snop  }
0x6: {  	_ = 	snop  }
0x7: {  	_ = 	snop  }
__scs_overlays_trampoline_lowered:
0x8: {  	[smem:$0x3FAA] =	sst s0  }
0x9: {  	[smem:$0x3FAB] =	sst s1  }
0xa: {  	[smem:$0x3FAC] =	sst s2  }
0xb: {  	[smem:$0x3FAD] =	sst s3  }
0xc: {  	[smem:$0x3FAE] =	sst s4  }
0xd: {  	[smem:$0x3FAF] =	sst s5  }
0xe: {  	[smem:$0x3FB0] =	sst s6  }
0xf: {  	[smem:$0x3FB1] =	sst s7  }
0x10: {  	[smem:$0x3FB2] =	sst s8  }
0x11: {  	[smem:$0x3FB3] =	sst s9;
	s0 =	simm.s32 @!p0 $0x0  }
0x12: {  	s1 =	sld [smem:$0x3F99];
	s0 =	simm.s32 @p0 $0x1  }
0x13: {  	[smem:$0x3FB4] =	sst s0;
	s0 =	simm.s32 @!p1 $0x0  }
0x14: {  	s2 =	sld [smem:$0x3F98];
	s0 =	simm.s32 @p1 $0x1  }
0x15: {  	[smem:$0x3FB5] =	sst s0;
	s0 =	simm.s32 @!p2 $0x0  }
0x16: {  	s3 =	sld [smem:$0x3FDB];
	s0 =	simm.s32 @p2 $0x1  }
0x17: {  	s4 =	simm.s32 $0x1BF5;
	[smem:$0x3FB7] =	sst s0  }
0x18: {  	s0 =	sld [smem:$0x3F9A];
	_ =	swait.ge [sflag:s4], $0x0  }
0x19: {  	s7 =	sld [smem:$0x3F9B]  }
0x1a: {  	s8 =	sadd.s32 $0xFFFFE003, lr  }
0x1b: {  	s9 =	sadd.s32 $0xFFFFFEF7, lr;
	s5 =	simm.s32 $0xFFFFFFFF;
	p2 =	slt.u32 s8, $0xFFFFF086  }
0x1c: {  	p1 =	slt.u32 s9, $0xF7A;
	s5 =	simm.s32 @!p2 $0x0  }
0x1d: {  	s5 =	simm.s32 @p1 $0x1;
	p0 =	seq.s32 s7, s2  }
0x1e: {  	s7 =	smul.u32 @!p0 $0xF7A, s2;
	p2 =	seq.s32 @!p0 s5, $0x0  }
0x1f: {  	s9 =	smul.u32 $0xF7A, s1;
	s8 =	simm.s32 @!p0 $0x1BF5;
	p2 =	por !p2, p0  }
0x20: {  	[sflag:s8] =	ssyncset.s32 @!p0 $0xFFFFF086;
	s6 =	sadd.s32 @!p0 s3, s7;
	s7 =	simm.s32 @!p0 $0x108  }
0x21: {  	s3 =	sadd.s32 s3, s9;
	s6 =	sadd.s32 @!p0 $0x88, s6;
	s7 =	simm.s32 @p2 $0x1082  }
0x22: {  	[simem:s7], [sflag:s8] =	dma.local @!p0 [hbm:s6], $0xF7A  }
0x23: {  	s9 =	sor.u32 $0xD0000000, s2;
	s6 =	simm.s32 $0x108;
	_ =	swait.ge @!p0 [sflag:s8], $0x0  }
0x24: {  	s3 =	sadd.s32 $0x88, s3;
	s6 =	simm.s32 @!p1 $0x1082;
	[sflag:s4] =	ssyncset.s32 $0xFFFFF086  }
0x25: {  	[simem:s6], [sflag:s4] =	dma.local [hbm:s3], $0xF7A  }
0x26: {  	[smem:$0x3F9B] =	sst s1;
	(tag) =	ssettag s2;
	_ =	strace s9  }
0x27: {  	s1 =	sld [smem:$0x3FAB]  }
0x28: {  	s2 =	sld [smem:$0x3FAC]  }
0x29: {  	s4 =	sld [smem:$0x3FAE]  }
0x2a: {  	p0 =	seq.s32 s5, $0x0;
	s5 =	sld [smem:$0x3FAF]  }
0x2b: {  	s6 =	sld [smem:$0x3FB0]  }
0x2c: {  	s7 =	sld [smem:$0x3FB1]  }
0x2d: {  	s3 =	simm.s32 $0x108;
	s8 =	sld [smem:$0x3FB2]  }
0x2e: {  	s3 =	simm.s32 @!p0 $0x1082;
	s9 =	sld [smem:$0x3FB3]  }
0x2f: {  	lr =	sadd.s32 s0, s3;
	s0 =	sld [smem:$0x3FAA]  }
0x30: {  	s3 =	sld [smem:$0x3FAD]  }
0x31: {  	[smem:$0x3FB6] =	sst s10  }
0x32: {  	s10 =	sld [smem:$0x3FB4];
	_ =	sdelay $0x3  }
0x33: {  	p0 =	seq.s32 s10, $0x1;
	s10 =	sld [smem:$0x3FB6];
	_ =	sdelay $0x3  }
0x34: {  	[smem:$0x3FB6] =	sst s10  }
0x35: {  	s10 =	sld [smem:$0x3FB5];
	_ =	sdelay $0x3  }
0x36: {  	p1 =	seq.s32 s10, $0x1;
	s10 =	sld [smem:$0x3FB6];
	_ =	sdelay $0x3  }
0x37: {  	[smem:$0x3FB6] =	sst s10  }
0x38: {  	s10 =	sld [smem:$0x3FB7]  }
0x39: {  	_ = 	snop;
	(pc) =	sbr.ind lr, $3  }
0x3a: {  	_ = 	snop  }
0x3b: {  	_ = 	snop  }
0x3c: {  	p2 =	seq.s32 s10, $0x1;
	s10 =	sld [smem:$0x3FB6]  }
0x3d: {  	_ =	shalt  }
0x3e: {  	_ =	shalt  }
0x3f: {  	_ =	shalt  }
0x40: {  	_ =	shalt  }
0x41: {  	_ =	shalt  }
0x42: {  	_ =	shalt  }
0x43: {  	_ =	shalt  }
0x44: {  	_ =	shalt  }
0x45: {  	_ =	shalt  }
0x46: {  	_ =	shalt  }
0x47: {  	_ =	shalt  }
0x48: {  	_ =	shalt  }
0x49: {  	_ =	shalt  }
0x4a: {  	_ =	shalt  }
0x4b: {  	_ =	shalt  }
0x4c: {  	_ =	shalt  }
0x4d: {  	_ =	shalt  }
0x4e: {  	_ =	shalt  }
0x4f: {  	_ =	shalt  }
0x50: {  	_ =	shalt  }
0x51: {  	_ =	shalt  }
0x52: {  	_ =	shalt  }
0x53: {  	_ =	shalt  }
0x54: {  	_ =	shalt  }
0x55: {  	_ =	shalt  }
0x56: {  	_ =	shalt  }
0x57: {  	_ =	shalt  }
0x58: {  	_ =	shalt  }
0x59: {  	_ =	shalt  }
0x5a: {  	_ =	shalt  }
0x5b: {  	_ =	shalt  }
0x5c: {  	_ =	shalt  }
0x5d: {  	_ =	shalt  }
0x5e: {  	_ =	shalt  }
0x5f: {  	_ =	shalt  }
0x60: {  	_ =	shalt  }
0x61: {  	_ =	shalt  }
0x62: {  	_ =	shalt  }
0x63: {  	_ =	shalt  }
0x64: {  	_ =	shalt  }
0x65: {  	_ =	shalt  }
0x66: {  	_ =	shalt  }
0x67: {  	_ =	shalt  }
0x68: {  	_ =	shalt  }
0x69: {  	_ =	shalt  }
0x6a: {  	_ =	shalt  }
0x6b: {  	_ =	shalt  }
0x6c: {  	_ =	shalt  }
0x6d: {  	_ =	shalt  }
0x6e: {  	_ =	shalt  }
0x6f: {  	_ =	shalt  }
0x70: {  	_ =	shalt  }
0x71: {  	_ =	shalt  }
0x72: {  	_ =	shalt  }
0x73: {  	_ =	shalt  }
0x74: {  	_ =	shalt  }
0x75: {  	_ =	shalt  }
0x76: {  	_ =	shalt  }
0x77: {  	_ =	shalt  }
0x78: {  	_ =	shalt  }
0x79: {  	_ =	shalt  }
0x7a: {  	_ =	shalt  }
0x7b: {  	_ =	shalt  }
0x7c: {  	_ =	shalt  }
0x7d: {  	_ =	shalt  }
0x7e: {  	_ =	shalt  }
0x7f: {  	_ =	shalt  }
0x80: {  	_ =	shalt  }
0x81: {  	_ =	shalt  }
0x82: {  	_ =	shalt  }
0x83: {  	_ =	shalt  }
0x84: {  	_ =	shalt  }
0x85: {  	_ =	shalt  }
0x86: {  	_ =	shalt  }
0x87: {  	_ =	shalt  }
.Lfunc_end0:
.L_simem_size_0:
called_computation.2_lowered:
.L_overlay_start_0:
0x88: {  	s2 =	sld [smem:$0x3FD9]  }
0x89: {  	s3 =	sld [smem:$0x3FFE];
	_ =	sdelay $0x1  }
0x8a: {  	s1 =	srdreg.scid  }
0x8b: {  	s0 =	sand.u32 $0x1, s1  }
0x8c: {  	s17 =	sshll.u32 s0, $0xA;
	s2 =	sadd.s32 s3, s2  }
0x8d: {  	s2 =	sadd.s32 s2, s17  }
0x8e: {  	[smem:$0x3FC2] =	sst s2  }
0x8f: {  	_ = 	snop  }
0x90: {  	s2 =	sld [smem:$0x3FD0];
	(tm) =	ssettm $0x1  }
0x91: {  	s18 =	sld [smem:$0x3FFB];
	_ =	sdelay $0x3  }
0x92: {  	_ =	strace s18  }
0x93: {  	s3 =	sld [smem:$0x3FFC];
	_ =	sdelay $0x3  }
0x94: {  	_ =	strace s3  }
0x95: {  	s3 =	sld [smem:$0x3FFD];
	_ =	sdelay $0x3  }
0x96: {  	_ =	strace s3  }
0x97: {  	_ =	strace $0x8FFFFFFF  }
0x98: {  	s19 =	sld [smem:$0x3FDB];
	_ =	sdelay $0x1  }
0x99: {  	s4 =	simm.s32 $_scs_section_size  }
0x9a: {  	s5 =	simm.s32 $_size__tile_overlayer_lowered;
	s6 =	simm.s32 $_tile_overlayer_lowered  }
0x9b: {  	s22 =	simm.s32 $0x1BFF;
	s21 =	sshll.u32 s6, $0x1;
	s3 =	sadd.s32 s4, s19  }
0x9c: {  	s7 =	simm.s32 $0x0;
	s20 =	sshll.u32 s5, $0x1;
	s5 =	sadd.s32 s21, s3  }
0x9d: {  	[timem:s7], [sflag:s22] =	dma.local [hbm:s5], s20  }
0x9e: {  	_ =	swait.ge [sflag:s22], s20  }
0x9f: {  	s4 =	ssub.s32 $0x0, s20;
	[sflag:s22] =	ssyncset.done $0x0  }
0xa0: {  	[sflag:s22] =	ssyncadd.s32 s4;
	_ =	sdelay $0x1  }
0xa1: {  	s23 =	simm.s32 $0x1B8B  }
0xa2: {  	_ =	swait.ge [sflag:s23], $0x1  }
0xa3: {  	[sflag:s23] =	ssyncset.done $0x0  }
0xa4: {  	s25 =	simm.s32 $0x1B8E;
	s24 =	sld [smem:$0x3FFE];
	[sflag:s23] =	ssyncadd.s32 $0xFFFFFFFF  }
0xa5: {  	s26 =	simm.s32 $execute0_lowered;
	[smem:$0x3FD2] =	sst s25  }
0xa6: {  	s5 =	sshll.u32 s26, $0x1;
	_ =	strace $0x8000004C;
	[dreg:$0x1] =	wrdreg $0xFFFFFFFF  }
0xa7: {  	s28 =	simm.s32 $_size_execute0_lowered;
	s3 =	sadd.s32 s3, s5;
	[dreg:$0x0] =	wrdreg $0x0  }
0xa8: {  	s5 =	sshll.u32 s28, $0x1;
	[dreg:$0x2] =	wrdreg s3  }
0xa9: {  	[dreg:$0x3] =	wrdreg s5  }
0xaa: {  	[dreg:$0x4] =	wrdreg $0xC0  }
0xab: {  	_ =	task [dreg:s7], $0x5FFFF  }
0xac: {  	[dreg:$0x1] =	wrdreg $0xFFFFFFFF  }
0xad: {  	[dreg:$0x0] =	wrdreg $0x60  }
0xae: {  	[dreg:$0x2] =	wrdreg s24  }
0xaf: {  	[dreg:$0x3] =	wrdreg s2  }
0xb0: {  	[dreg:$0x4] =	wrdreg $0x9  }
0xb1: {  	_ =	task.clear_ibuf [dreg:s7], $0x5FFFF;
	_ =	strace $0x9000004C  }
0xb2: {  	s29 =	simm.s32 $0x9;
	_ =	strace $0x8000004E  }
0xb3: {  	_ =	swait.ge [sflag:s29], $0x1  }
0xb4: {  	[sflag:s29] =	ssyncadd.s32 $0xFFFFFFFF  }
0xb5: {  	_ =	strace $0x9000004E  }
0xb6: {  	_ =	sfence  }
0xb7: {  	s30 =	sld [smem:$0x0];
	_ =	sdelay $0x2  }
0xb8: {  	s31 =	sshll.u32 s1, $0xD;
	s1 =	sshrl.u32 s1, $0x2  }
0xb9: {  	s3 =	sand.u32 $0x4000, s31;
	s1 =	sadd.s32 s1, s30  }
0xba: {  	s0 =	sor.u32 s3, s0;
	s1 =	sshll.u32 s1, $0x11  }
0xbb: {  	s0 =	sor.u32 s1, s0  }
0xbc: {  	s0 =	sadd.s32 $0x8F2B, s0  }
0xbd: {  	[sflag:s0] =	ssyncadd.remote.s32 $0x1  }
0xbe: {  	_ =	sfence.sel $0xFFFF  }
0xbf: {  	[dreg:$0x0] =	wrdreg $0xFFFFFFFF;
	(pc) =	sbr.abs _section_cstart, $3  }
0xc0: {  	[dreg:$0x1] =	wrdreg $0xFFFFFFFF  }
0xc1: {  	_ =	task.clear_ibuf [dreg:s7], $0x2FFFF;
	_ =	strace $0x9FFFFFFF  }
0xc2: {  	(tm) =	ssettm $0x7FFFFFFF  }
0xc3: {  	_ =	shalt  }
tec
execute0_lowered:
.L_overlay_start_1:
0x0: {  	(tag) =	ssettag $0x1  }
0x1: {  	s0 =	srdreg.scid;
	s1 =	rddreg [dreg:$0x0]  }
0x2: {  	s3 =	stileid.u32;
	s2 =	rddreg [dreg:$0x1]  }
0x3: {  	s26 =	simm.s32 $0x100;
	s22 =	simm.s32 $0x1200;
	s23 =	simm.s32 $0x1A00  }
0x4: {  	s28 =	simm.s32 $0x3A00;
	s29 =	simm.s32 $0x4200;
	s30 =	simm.s32 $0x4A00  }
0x5: {  	s31 =	simm.s32 $0x5200;
	s11 =	simm.s32 $0x6A00;
	s12 =	simm.s32 $0x7200  }
0x6: {  	s14 =	simm.s32 $0x7A00;
	s15 =	simm.s32 $0x8200;
	s16 =	simm.s32 $0x8A00  }
0x7: {  	s13 =	simm.s32 $0x9200;
	s17 =	simm.s32 $0x9A00;
	s18 =	simm.s32 $0xA200  }
0x8: {  	s19 =	simm.s32 $0xAA00;
	s10 =	simm.s32 $0xB200;
	s0 =	sand.u32 $0x1, s0  }
0x9: {  	s4 =	sshll.u32 s3, $0x6;
	s3 =	simm.s32 $0x0;
	s7 =	sadd.s32 $0x100, s2  }
0xa: {  	s8 =	sadd.s32 $0x200, s2;
	s5 =	sshll.u32 s0, $0x5;
	[smem:$0x7FF] =	sst s3  }
0xb: {  	s0 =	ssub.s32 $0x2, s0;
	s4 =	sor.u32 s5, s4;
	_ =	strace $0x8000004D  }
0xc: {  	s6 =	sshrl.u32 s0, $0x1;
	s5 =	sadd.s32 $0x1300, s1;
	[dreg:$0x5] =	wrdreg s26  }
0xd: {  	s26 =	simm.s32 $0x3200;
	s4 =	sadd.s32 s4, s1;
	s0 =	ssub.s32 s0, s6  }
0xe: {  	v2 =	vlaneseq.u32;
	s6 =	sadd.s32 $0x1400, s1;
	s24 =	sadd.s32 $0xE00, s4;
	s25 =	sadd.s32 $0x600, s4  }
0xf: {  	vm0 =	vmmov $0xffff;
	v1 =	vshrl.u32 v2, $0x3;
	s4 =	sadd.s32 $0x1200, s1;
	s9 =	smax.u32 s0, $0x1;
	[dreg:$0x3] =	wrdreg s24  }
0x10: {  	v0 =	vand.u32 $0x7, v2;
	v2 =	vor.u32 $0x8, v2;
	v1 =	vmul.u32 $0x8, v1;
	[dreg:$0x4] =	wrdreg s25;
	s24 =	simm.s32 $0x2200;
	s25 =	simm.s32 $0x2A00  }
.LBB2_1:
0x11: {  	s20 =	rddreg [dreg:$0x3];
	s0 =	simm.s32 $0x5  }
0x12: {  	[tilespmem:s3], [sflag:$0x5] =	stream.linear.gather [hbm4b:s20+s3], $0x100, $0x38;
	[tilespmem:$0x18200] =	vst v63  }
0x13: {  	_ =	swait.ge [sflag:s0], $0x100  }
0x14: {  	s1 =	rddreg [dreg:$0x4];
	[sflag:s0] =	ssyncset.done $0x0  }
0x15: {  	s21 =	rddreg [dreg:$0x5];
	[sflag:s0] =	ssyncadd.s32 $0xFFFFFF00  }
0x16: {  	[tilespmem:s21], [sflag:$0x5] =	stream.linear.gather [hbm4b:s1+s3], $0x100, $0x38;
	[tilespmem:$0x18200] =	vst v63  }
0x17: {  	_ =	swait.ge [sflag:s0], $0x100  }
0x18: {  	[sflag:s0] =	ssyncset.done $0x0  }
0x19: {  	[sflag:s0] =	ssyncadd.s32 $0xFFFFFF00  }
0x1a: {  	v3 =	vld [tilespmem:$0x0];
	_ =	sdelay $0x4  }
0x1b: {  	v4 =	vshrl.u32 v3, $0x3  }
0x1c: {  	v4 =	vmul.u32 $0x30, v4  }
0x1d: {  	v3 =	vand.u32 $0x7, v3  }
0x1e: {  	v3 =	vor.u32 v3, v4  }
0x1f: {  	v4 =	vperm.xlane v3, v0;
	_ =	sdelay $0x1  }
0x20: {  	v4 =	vadd.s32 v1, v4;
	_ =	sdelay $0x3  }
0x21: {  	s20 =	simm.s32 $0x200;
	v3 =	vperm.xlane v3, v2  }
0x22: {  	[tilespmem:s20], [sflag:$0x1] =	stream.indirect_vreg.gather [hbm4b:s4+s3], $0x80, v4, vm0, $0xb8;
	[tilespmem:$0x18200] =	vst v63  }
0x23: {  	s21 =	simm.s32 $0xA00;
	v3 =	vadd.s32 v1, v3  }
0x24: {  	[tilespmem:s21], [sflag:$0x1] =	stream.indirect_vreg.gather [hbm4b:s5+s3], $0x80, v4, vm0, $0xb8;
	[tilespmem:$0x18200] =	vst v63  }
0x25: {  	_ = 	snop  }
0x26: {  	[tilespmem:s22], [sflag:$0x1] =	stream.indirect_vreg.gather [hbm4b:s6+s3], $0x80, v4, vm0, $0xb8;
	[tilespmem:$0x18200] =	vst v63  }
0x27: {  	_ = 	snop  }
0x28: {  	[tilespmem:s23], [sflag:$0x1] =	stream.indirect_vreg.gather [hbm4b:s4+s3], $0x80, v3, vm0, $0xb8;
	[tilespmem:$0x18200] =	vst v63  }
0x29: {  	_ = 	snop  }
0x2a: {  	[tilespmem:s24], [sflag:$0x1] =	stream.indirect_vreg.gather [hbm4b:s5+s3], $0x80, v3, vm0, $0xb8;
	[tilespmem:$0x18200] =	vst v63  }
0x2b: {  	_ = 	snop  }
0x2c: {  	[tilespmem:s25], [sflag:$0x1] =	stream.indirect_vreg.gather [hbm4b:s6+s3], $0x80, v3, vm0, $0xb8;
	[tilespmem:$0x18200] =	vst v63  }
0x2d: {  	v3 =	vld [tilespmem:$0x10];
	_ =	sdelay $0x4  }
0x2e: {  	v49 =	vshrl.u32 v3, $0x3  }
0x2f: {  	v4 =	vmul.u32 $0x30, v49  }
0x30: {  	v3 =	vand.u32 $0x7, v3  }
0x31: {  	v3 =	vor.u32 v3, v4  }
0x32: {  	v4 =	vperm.xlane v3, v0;
	_ =	sdelay $0x1  }
0x33: {  	v4 =	vadd.s32 v1, v4;
	_ =	sdelay $0x3  }
0x34: {  	v3 =	vperm.xlane v3, v2  }
0x35: {  	[tilespmem:s26], [sflag:$0x1] =	stream.indirect_vreg.gather [hbm4b:s4+s3], $0x80, v4, vm0, $0xb8;
	[tilespmem:$0x18200] =	vst v63  }
0x36: {  	v3 =	vadd.s32 v1, v3  }
0x37: {  	[tilespmem:s28], [sflag:$0x1] =	stream.indirect_vreg.gather [hbm4b:s5+s3], $0x80, v4, vm0, $0xb8;
	[tilespmem:$0x18200] =	vst v63  }
0x38: {  	_ = 	snop  }
0x39: {  	[tilespmem:s29], [sflag:$0x1] =	stream.indirect_vreg.gather [hbm4b:s6+s3], $0x80, v4, vm0, $0xb8;
	[tilespmem:$0x18200] =	vst v63  }
0x3a: {  	_ = 	snop  }
0x3b: {  	[tilespmem:s30], [sflag:$0x1] =	stream.indirect_vreg.gather [hbm4b:s4+s3], $0x80, v3, vm0, $0xb8;
	[tilespmem:$0x18200] =	vst v63  }
0x3c: {  	_ = 	snop  }
0x3d: {  	[tilespmem:s31], [sflag:$0x1] =	stream.indirect_vreg.gather [hbm4b:s5+s3], $0x80, v3, vm0, $0xb8;
	[tilespmem:$0x18200] =	vst v63  }
0x3e: {  	s1 =	simm.s32 $0x5A00  }
0x3f: {  	[tilespmem:s1], [sflag:$0x1] =	stream.indirect_vreg.gather [hbm4b:s6+s3], $0x80, v3, vm0, $0xb8;
	[tilespmem:$0x18200] =	vst v63  }
0x40: {  	v3 =	vld [tilespmem:$0x20];
	_ =	sdelay $0x4  }
0x41: {  	v50 =	vshrl.u32 v3, $0x3  }
0x42: {  	v4 =	vmul.u32 $0x30, v50  }
0x43: {  	v3 =	vand.u32 $0x7, v3  }
0x44: {  	v3 =	vor.u32 v3, v4  }
0x45: {  	v4 =	vperm.xlane v3, v0;
	_ =	sdelay $0x1  }
0x46: {  	v4 =	vadd.s32 v1, v4;
	_ =	sdelay $0x3  }
0x47: {  	s0 =	simm.s32 $0x6200;
	v3 =	vperm.xlane v3, v2  }
0x48: {  	[tilespmem:s0], [sflag:$0x1] =	stream.indirect_vreg.gather [hbm4b:s4+s3], $0x80, v4, vm0, $0xb8;
	[tilespmem:$0x18200] =	vst v63  }
0x49: {  	v3 =	vadd.s32 v1, v3  }
0x4a: {  	[tilespmem:s11], [sflag:$0x1] =	stream.indirect_vreg.gather [hbm4b:s5+s3], $0x80, v4, vm0, $0xb8;
	[tilespmem:$0x18200] =	vst v63  }
0x4b: {  	_ = 	snop  }
0x4c: {  	[tilespmem:s12], [sflag:$0x1] =	stream.indirect_vreg.gather [hbm4b:s6+s3], $0x80, v4, vm0, $0xb8;
	[tilespmem:$0x18200] =	vst v63  }
0x4d: {  	_ = 	snop  }
0x4e: {  	[tilespmem:s14], [sflag:$0x1] =	stream.indirect_vreg.gather [hbm4b:s4+s3], $0x80, v3, vm0, $0xb8;
	[tilespmem:$0x18200] =	vst v63  }
0x4f: {  	_ = 	snop  }
0x50: {  	[tilespmem:s15], [sflag:$0x1] =	stream.indirect_vreg.gather [hbm4b:s5+s3], $0x80, v3, vm0, $0xb8;
	[tilespmem:$0x18200] =	vst v63  }
0x51: {  	_ = 	snop  }
0x52: {  	[tilespmem:s16], [sflag:$0x1] =	stream.indirect_vreg.gather [hbm4b:s6+s3], $0x80, v3, vm0, $0xb8;
	[tilespmem:$0x18200] =	vst v63  }
0x53: {  	v3 =	vld [tilespmem:$0x30];
	_ =	sdelay $0x4  }
0x54: {  	v51 =	vshrl.u32 v3, $0x3  }
0x55: {  	v4 =	vmul.u32 $0x30, v51  }
0x56: {  	v3 =	vand.u32 $0x7, v3  }
0x57: {  	v3 =	vor.u32 v3, v4  }
0x58: {  	v4 =	vperm.xlane v3, v0;
	_ =	sdelay $0x1  }
0x59: {  	v4 =	vadd.s32 v1, v4;
	_ =	sdelay $0x3  }
0x5a: {  	v3 =	vperm.xlane v3, v2  }
0x5b: {  	[tilespmem:s13], [sflag:$0x1] =	stream.indirect_vreg.gather [hbm4b:s4+s3], $0x80, v4, vm0, $0xb8;
	[tilespmem:$0x18200] =	vst v63  }
0x5c: {  	v3 =	vadd.s32 v1, v3  }
0x5d: {  	[tilespmem:s17], [sflag:$0x1] =	stream.indirect_vreg.gather [hbm4b:s5+s3], $0x80, v4, vm0, $0xb8;
	[tilespmem:$0x18200] =	vst v63  }
0x5e: {  	_ = 	snop  }
0x5f: {  	[tilespmem:s18], [sflag:$0x1] =	stream.indirect_vreg.gather [hbm4b:s6+s3], $0x80, v4, vm0, $0xb8;
	[tilespmem:$0x18200] =	vst v63  }
0x60: {  	_ = 	snop  }
0x61: {  	[tilespmem:s19], [sflag:$0x1] =	stream.indirect_vreg.gather [hbm4b:s4+s3], $0x80, v3, vm0, $0xb8;
	[tilespmem:$0x18200] =	vst v63  }
0x62: {  	_ = 	snop  }
0x63: {  	[tilespmem:s10], [sflag:$0x1] =	stream.indirect_vreg.gather [hbm4b:s5+s3], $0x80, v3, vm0, $0xb8;
	[tilespmem:$0x18200] =	vst v63  }
0x64: {  	s0 =	simm.s32 $0xBA00  }
0x65: {  	[tilespmem:s0], [sflag:$0x1] =	stream.indirect_vreg.gather [hbm4b:s6+s3], $0x80, v3, vm0, $0xb8;
	[tilespmem:$0x18200] =	vst v63  }
0x66: {  	s0 =	simm.s32 $0x1  }
0x67: {  	_ =	swait.ge [sflag:s0], $0xC000  }
0x68: {  	[sflag:s0] =	ssyncset.done $0x0  }
0x69: {  	[sflag:s0] =	ssyncadd.s32 $0xFFFF4000  }
0x6a: {  	v3 =	vld [tilespmem:$0x80];
	_ =	sdelay $0x4  }
0x6b: {  	v52 =	vshrl.u32 v3, $0x3  }
0x6c: {  	v4 =	vmul.u32 $0x30, v52  }
0x6d: {  	v3 =	vand.u32 $0x7, v3  }
0x6e: {  	v3 =	vor.u32 v3, v4  }
0x6f: {  	v4 =	vperm.xlane v3, v0;
	_ =	sdelay $0x1  }
0x70: {  	v4 =	vadd.s32 v1, v4;
	_ =	sdelay $0x3  }
0x71: {  	s0 =	simm.s32 $0xC200;
	v3 =	vperm.xlane v3, v2  }
0x72: {  	[tilespmem:s0], [sflag:$0x2] =	stream.indirect_vreg.gather [hbm4b:s4+s3], $0x80, v4, vm0, $0xb8;
	[tilespmem:$0x18200] =	vst v63  }
0x73: {  	v3 =	vadd.s32 v1, v3;
	s0 =	simm.s32 $0xCA00  }
0x74: {  	[tilespmem:s0], [sflag:$0x2] =	stream.indirect_vreg.gather [hbm4b:s5+s3], $0x80, v4, vm0, $0xb8;
	[tilespmem:$0x18200] =	vst v63  }
0x75: {  	s0 =	simm.s32 $0xD200  }
0x76: {  	[tilespmem:s0], [sflag:$0x2] =	stream.indirect_vreg.gather [hbm4b:s6+s3], $0x80, v4, vm0, $0xb8;
	[tilespmem:$0x18200] =	vst v63  }
0x77: {  	s0 =	simm.s32 $0xDA00  }
0x78: {  	[tilespmem:s0], [sflag:$0x2] =	stream.indirect_vreg.gather [hbm4b:s4+s3], $0x80, v3, vm0, $0xb8;
	[tilespmem:$0x18200] =	vst v63  }
0x79: {  	s0 =	simm.s32 $0xE200  }
0x7a: {  	[tilespmem:s0], [sflag:$0x2] =	stream.indirect_vreg.gather [hbm4b:s5+s3], $0x80, v3, vm0, $0xb8;
	[tilespmem:$0x18200] =	vst v63  }
0x7b: {  	s0 =	simm.s32 $0xEA00  }
0x7c: {  	[tilespmem:s0], [sflag:$0x2] =	stream.indirect_vreg.gather [hbm4b:s6+s3], $0x80, v3, vm0, $0xb8;
	[tilespmem:$0x18200] =	vst v63  }
0x7d: {  	v3 =	vld [tilespmem:$0x90];
	_ =	sdelay $0x4  }
0x7e: {  	v53 =	vshrl.u32 v3, $0x3  }
0x7f: {  	v4 =	vmul.u32 $0x30, v53  }
0x80: {  	v3 =	vand.u32 $0x7, v3  }
0x81: {  	v3 =	vor.u32 v3, v4  }
0x82: {  	v4 =	vperm.xlane v3, v0;
	_ =	sdelay $0x1  }
0x83: {  	v4 =	vadd.s32 v1, v4;
	_ =	sdelay $0x3  }
0x84: {  	s0 =	simm.s32 $0xF200;
	v3 =	vperm.xlane v3, v2  }
0x85: {  	[tilespmem:s0], [sflag:$0x2] =	stream.indirect_vreg.gather [hbm4b:s4+s3], $0x80, v4, vm0, $0xb8;
	[tilespmem:$0x18200] =	vst v63  }
0x86: {  	v3 =	vadd.s32 v1, v3;
	s0 =	simm.s32 $0xFA00  }
0x87: {  	[tilespmem:s0], [sflag:$0x2] =	stream.indirect_vreg.gather [hbm4b:s5+s3], $0x80, v4, vm0, $0xb8;
	[tilespmem:$0x18200] =	vst v63  }
0x88: {  	s0 =	simm.s32 $0x10200  }
0x89: {  	[tilespmem:s0], [sflag:$0x2] =	stream.indirect_vreg.gather [hbm4b:s6+s3], $0x80, v4, vm0, $0xb8;
	[tilespmem:$0x18200] =	vst v63  }
0x8a: {  	s0 =	simm.s32 $0x10A00  }
0x8b: {  	[tilespmem:s0], [sflag:$0x2] =	stream.indirect_vreg.gather [hbm4b:s4+s3], $0x80, v3, vm0, $0xb8;
	[tilespmem:$0x18200] =	vst v63  }
0x8c: {  	s0 =	simm.s32 $0x11200  }
0x8d: {  	[tilespmem:s0], [sflag:$0x2] =	stream.indirect_vreg.gather [hbm4b:s5+s3], $0x80, v3, vm0, $0xb8;
	[tilespmem:$0x18200] =	vst v63  }
0x8e: {  	s0 =	simm.s32 $0x11A00  }
0x8f: {  	[tilespmem:s0], [sflag:$0x2] =	stream.indirect_vreg.gather [hbm4b:s6+s3], $0x80, v3, vm0, $0xb8;
	[tilespmem:$0x18200] =	vst v63  }
0x90: {  	v3 =	vld [tilespmem:$0xA0];
	_ =	sdelay $0x4  }
0x91: {  	v54 =	vshrl.u32 v3, $0x3  }
0x92: {  	v4 =	vmul.u32 $0x30, v54  }
0x93: {  	v3 =	vand.u32 $0x7, v3  }
0x94: {  	v3 =	vor.u32 v3, v4  }
0x95: {  	v4 =	vperm.xlane v3, v0;
	_ =	sdelay $0x1  }
0x96: {  	v4 =	vadd.s32 v1, v4;
	_ =	sdelay $0x3  }
0x97: {  	s0 =	simm.s32 $0x12200;
	v3 =	vperm.xlane v3, v2  }
0x98: {  	[tilespmem:s0], [sflag:$0x2] =	stream.indirect_vreg.gather [hbm4b:s4+s3], $0x80, v4, vm0, $0xb8;
	[tilespmem:$0x18200] =	vst v63  }
0x99: {  	v3 =	vadd.s32 v1, v3;
	s0 =	simm.s32 $0x12A00  }
0x9a: {  	[tilespmem:s0], [sflag:$0x2] =	stream.indirect_vreg.gather [hbm4b:s5+s3], $0x80, v4, vm0, $0xb8;
	[tilespmem:$0x18200] =	vst v63  }
0x9b: {  	s0 =	simm.s32 $0x13200  }
0x9c: {  	[tilespmem:s0], [sflag:$0x2] =	stream.indirect_vreg.gather [hbm4b:s6+s3], $0x80, v4, vm0, $0xb8;
	[tilespmem:$0x18200] =	vst v63  }
0x9d: {  	s0 =	simm.s32 $0x13A00  }
0x9e: {  	[tilespmem:s0], [sflag:$0x2] =	stream.indirect_vreg.gather [hbm4b:s4+s3], $0x80, v3, vm0, $0xb8;
	[tilespmem:$0x18200] =	vst v63  }
0x9f: {  	s0 =	simm.s32 $0x14200  }
0xa0: {  	[tilespmem:s0], [sflag:$0x2] =	stream.indirect_vreg.gather [hbm4b:s5+s3], $0x80, v3, vm0, $0xb8;
	[tilespmem:$0x18200] =	vst v63  }
0xa1: {  	s0 =	simm.s32 $0x14A00  }
0xa2: {  	[tilespmem:s0], [sflag:$0x2] =	stream.indirect_vreg.gather [hbm4b:s6+s3], $0x80, v3, vm0, $0xb8;
	[tilespmem:$0x18200] =	vst v63  }
0xa3: {  	v3 =	vld [tilespmem:$0xB0];
	_ =	sdelay $0x4  }
0xa4: {  	v55 =	vshrl.u32 v3, $0x3  }
0xa5: {  	v4 =	vmul.u32 $0x30, v55  }
0xa6: {  	v3 =	vand.u32 $0x7, v3  }
0xa7: {  	v3 =	vor.u32 v3, v4  }
0xa8: {  	v4 =	vperm.xlane v3, v0;
	_ =	sdelay $0x1  }
0xa9: {  	v4 =	vadd.s32 v1, v4;
	_ =	sdelay $0x3  }
0xaa: {  	s0 =	simm.s32 $0x15200;
	v3 =	vperm.xlane v3, v2  }
0xab: {  	[tilespmem:s0], [sflag:$0x2] =	stream.indirect_vreg.gather [hbm4b:s4+s3], $0x80, v4, vm0, $0xb8;
	[tilespmem:$0x18200] =	vst v63  }
0xac: {  	v3 =	vadd.s32 v1, v3;
	s0 =	simm.s32 $0x15A00  }
0xad: {  	[tilespmem:s0], [sflag:$0x2] =	stream.indirect_vreg.gather [hbm4b:s5+s3], $0x80, v4, vm0, $0xb8;
	[tilespmem:$0x18200] =	vst v63  }
0xae: {  	s0 =	simm.s32 $0x16200  }
0xaf: {  	[tilespmem:s0], [sflag:$0x2] =	stream.indirect_vreg.gather [hbm4b:s6+s3], $0x80, v4, vm0, $0xb8;
	[tilespmem:$0x18200] =	vst v63  }
0xb0: {  	s0 =	simm.s32 $0x16A00  }
0xb1: {  	[tilespmem:s0], [sflag:$0x2] =	stream.indirect_vreg.gather [hbm4b:s4+s3], $0x80, v3, vm0, $0xb8;
	[tilespmem:$0x18200] =	vst v63  }
0xb2: {  	s0 =	simm.s32 $0x17200  }
0xb3: {  	[tilespmem:s0], [sflag:$0x2] =	stream.indirect_vreg.gather [hbm4b:s5+s3], $0x80, v3, vm0, $0xb8;
	[tilespmem:$0x18200] =	vst v63  }
0xb4: {  	s0 =	simm.s32 $0x17A00  }
0xb5: {  	[tilespmem:s0], [sflag:$0x2] =	stream.indirect_vreg.gather [hbm4b:s6+s3], $0x80, v3, vm0, $0xb8;
	[tilespmem:$0x18200] =	vst v63  }
0xb6: {  	v3 =	vld [tilespmem:$0x100];
	_ =	sdelay $0x4  }
0xb7: {  	v56 =	vshrl.u32 v3, $0x3  }
0xb8: {  	v4 =	vmul.u32 $0x30, v56  }
0xb9: {  	v3 =	vand.u32 $0x7, v3  }
0xba: {  	v3 =	vor.u32 v3, v4  }
0xbb: {  	v4 =	vperm.xlane v3, v0;
	_ =	sdelay $0x1  }
0xbc: {  	v4 =	vadd.s32 v1, v4;
	_ =	sdelay $0x3  }
0xbd: {  	v3 =	vperm.xlane v3, v2  }
0xbe: {  	[hbm4b:s2+s3] =	stream.indirect_vreg.scatter [tilespmem:s20], [sflag:$0x3], $0x80, v4, vm0, $0xb8;
	[tilespmem:$0x18200] =	vst v63  }
0xbf: {  	v3 =	vadd.s32 v1, v3  }
0xc0: {  	[hbm4b:s7+s3] =	stream.indirect_vreg.scatter [tilespmem:s21], [sflag:$0x3], $0x80, v4, vm0, $0xb8;
	[tilespmem:$0x18200] =	vst v63  }
0xc1: {  	_ = 	snop  }
0xc2: {  	[hbm4b:s8+s3] =	stream.indirect_vreg.scatter [tilespmem:s22], [sflag:$0x3], $0x80, v4, vm0, $0xb8;
	[tilespmem:$0x18200] =	vst v63  }
0xc3: {  	_ = 	snop  }
0xc4: {  	[hbm4b:s2+s3] =	stream.indirect_vreg.scatter [tilespmem:s23], [sflag:$0x3], $0x80, v3, vm0, $0xb8;
	[tilespmem:$0x18200] =	vst v63  }
0xc5: {  	_ = 	snop  }
0xc6: {  	[hbm4b:s7+s3] =	stream.indirect_vreg.scatter [tilespmem:s24], [sflag:$0x3], $0x80, v3, vm0, $0xb8;
	[tilespmem:$0x18200] =	vst v63  }
0xc7: {  	_ = 	snop  }
0xc8: {  	[hbm4b:s8+s3] =	stream.indirect_vreg.scatter [tilespmem:s25], [sflag:$0x3], $0x80, v3, vm0, $0xb8;
	[tilespmem:$0x18200] =	vst v63  }
0xc9: {  	v3 =	vld [tilespmem:$0x110];
	_ =	sdelay $0x4  }
0xca: {  	v57 =	vshrl.u32 v3, $0x3  }
0xcb: {  	v4 =	vmul.u32 $0x30, v57  }
0xcc: {  	v3 =	vand.u32 $0x7, v3  }
0xcd: {  	v3 =	vor.u32 v3, v4  }
0xce: {  	v4 =	vperm.xlane v3, v0;
	_ =	sdelay $0x1  }
0xcf: {  	v4 =	vadd.s32 v1, v4;
	_ =	sdelay $0x3  }
0xd0: {  	v3 =	vperm.xlane v3, v2  }
0xd1: {  	[hbm4b:s2+s3] =	stream.indirect_vreg.scatter [tilespmem:s26], [sflag:$0x3], $0x80, v4, vm0, $0xb8;
	[tilespmem:$0x18200] =	vst v63  }
0xd2: {  	v3 =	vadd.s32 v1, v3  }
0xd3: {  	[hbm4b:s7+s3] =	stream.indirect_vreg.scatter [tilespmem:s28], [sflag:$0x3], $0x80, v4, vm0, $0xb8;
	[tilespmem:$0x18200] =	vst v63  }
0xd4: {  	_ = 	snop  }
0xd5: {  	[hbm4b:s8+s3] =	stream.indirect_vreg.scatter [tilespmem:s29], [sflag:$0x3], $0x80, v4, vm0, $0xb8;
	[tilespmem:$0x18200] =	vst v63  }
0xd6: {  	_ = 	snop  }
0xd7: {  	[hbm4b:s2+s3] =	stream.indirect_vreg.scatter [tilespmem:s30], [sflag:$0x3], $0x80, v3, vm0, $0xb8;
	[tilespmem:$0x18200] =	vst v63  }
0xd8: {  	_ = 	snop  }
0xd9: {  	[hbm4b:s7+s3] =	stream.indirect_vreg.scatter [tilespmem:s31], [sflag:$0x3], $0x80, v3, vm0, $0xb8;
	[tilespmem:$0x18200] =	vst v63  }
0xda: {  	_ = 	snop  }
0xdb: {  	[hbm4b:s8+s3] =	stream.indirect_vreg.scatter [tilespmem:s1], [sflag:$0x3], $0x80, v3, vm0, $0xb8;
	[tilespmem:$0x18200] =	vst v63  }
0xdc: {  	v3 =	vld [tilespmem:$0x120];
	_ =	sdelay $0x4  }
0xdd: {  	v58 =	vshrl.u32 v3, $0x3  }
0xde: {  	v4 =	vmul.u32 $0x30, v58  }
0xdf: {  	v3 =	vand.u32 $0x7, v3  }
0xe0: {  	v3 =	vor.u32 v3, v4  }
0xe1: {  	v4 =	vperm.xlane v3, v0;
	_ =	sdelay $0x1  }
0xe2: {  	v4 =	vadd.s32 v1, v4;
	_ =	sdelay $0x3  }
0xe3: {  	s20 =	simm.s32 $0x6200;
	v3 =	vperm.xlane v3, v2  }
0xe4: {  	[hbm4b:s2+s3] =	stream.indirect_vreg.scatter [tilespmem:s20], [sflag:$0x3], $0x80, v4, vm0, $0xb8;
	[tilespmem:$0x18200] =	vst v63  }
0xe5: {  	v3 =	vadd.s32 v1, v3  }
0xe6: {  	[hbm4b:s7+s3] =	stream.indirect_vreg.scatter [tilespmem:s11], [sflag:$0x3], $0x80, v4, vm0, $0xb8;
	[tilespmem:$0x18200] =	vst v63  }
0xe7: {  	_ = 	snop  }
0xe8: {  	[hbm4b:s8+s3] =	stream.indirect_vreg.scatter [tilespmem:s12], [sflag:$0x3], $0x80, v4, vm0, $0xb8;
	[tilespmem:$0x18200] =	vst v63  }
0xe9: {  	_ = 	snop  }
0xea: {  	[hbm4b:s2+s3] =	stream.indirect_vreg.scatter [tilespmem:s14], [sflag:$0x3], $0x80, v3, vm0, $0xb8;
	[tilespmem:$0x18200] =	vst v63  }
0xeb: {  	_ = 	snop  }
0xec: {  	[hbm4b:s7+s3] =	stream.indirect_vreg.scatter [tilespmem:s15], [sflag:$0x3], $0x80, v3, vm0, $0xb8;
	[tilespmem:$0x18200] =	vst v63  }
0xed: {  	_ = 	snop  }
0xee: {  	[hbm4b:s8+s3] =	stream.indirect_vreg.scatter [tilespmem:s16], [sflag:$0x3], $0x80, v3, vm0, $0xb8;
	[tilespmem:$0x18200] =	vst v63  }
0xef: {  	v3 =	vld [tilespmem:$0x130];
	_ =	sdelay $0x4  }
0xf0: {  	v59 =	vshrl.u32 v3, $0x3  }
0xf1: {  	v4 =	vmul.u32 $0x30, v59  }
0xf2: {  	v3 =	vand.u32 $0x7, v3  }
0xf3: {  	v3 =	vor.u32 v3, v4  }
0xf4: {  	v4 =	vperm.xlane v3, v0;
	_ =	sdelay $0x1  }
0xf5: {  	v4 =	vadd.s32 v1, v4;
	_ =	sdelay $0x3  }
0xf6: {  	v3 =	vperm.xlane v3, v2  }
0xf7: {  	[hbm4b:s2+s3] =	stream.indirect_vreg.scatter [tilespmem:s13], [sflag:$0x3], $0x80, v4, vm0, $0xb8;
	[tilespmem:$0x18200] =	vst v63  }
0xf8: {  	v3 =	vadd.s32 v1, v3  }
0xf9: {  	[hbm4b:s7+s3] =	stream.indirect_vreg.scatter [tilespmem:s17], [sflag:$0x3], $0x80, v4, vm0, $0xb8;
	[tilespmem:$0x18200] =	vst v63  }
0xfa: {  	_ = 	snop  }
0xfb: {  	[hbm4b:s8+s3] =	stream.indirect_vreg.scatter [tilespmem:s18], [sflag:$0x3], $0x80, v4, vm0, $0xb8;
	[tilespmem:$0x18200] =	vst v63  }
0xfc: {  	_ = 	snop  }
0xfd: {  	[hbm4b:s2+s3] =	stream.indirect_vreg.scatter [tilespmem:s19], [sflag:$0x3], $0x80, v3, vm0, $0xb8;
	[tilespmem:$0x18200] =	vst v63  }
0xfe: {  	_ = 	snop  }
0xff: {  	[hbm4b:s7+s3] =	stream.indirect_vreg.scatter [tilespmem:s10], [sflag:$0x3], $0x80, v3, vm0, $0xb8;
	[tilespmem:$0x18200] =	vst v63  }
0x100: {  	s0 =	simm.s32 $0x2;
	s21 =	simm.s32 $0xBA00  }
0x101: {  	[hbm4b:s8+s3] =	stream.indirect_vreg.scatter [tilespmem:s21], [sflag:$0x3], $0x80, v3, vm0, $0xb8;
	[tilespmem:$0x18200] =	vst v63  }
0x102: {  	_ =	swait.ge [sflag:s0], $0xC000  }
0x103: {  	[sflag:s0] =	ssyncset.done $0x0  }
0x104: {  	s20 =	simm.s32 $0x3;
	[sflag:s0] =	ssyncadd.s32 $0xFFFF4000  }
0x105: {  	_ =	swait.ge [sflag:s20], $0xC000  }
0x106: {  	[sflag:s20] =	ssyncset.done $0x0  }
0x107: {  	[sflag:s20] =	ssyncadd.s32 $0xFFFF4000  }
0x108: {  	v3 =	vld [tilespmem:$0x180];
	_ =	sdelay $0x4  }
0x109: {  	v60 =	vshrl.u32 v3, $0x3  }
0x10a: {  	v4 =	vmul.u32 $0x30, v60  }
0x10b: {  	v3 =	vand.u32 $0x7, v3  }
0x10c: {  	v3 =	vor.u32 v3, v4  }
0x10d: {  	v4 =	vperm.xlane v3, v0;
	_ =	sdelay $0x1  }
0x10e: {  	v4 =	vadd.s32 v1, v4;
	_ =	sdelay $0x3  }
0x10f: {  	s21 =	simm.s32 $0xC200;
	v3 =	vperm.xlane v3, v2  }
0x110: {  	[hbm4b:s2+s3] =	stream.indirect_vreg.scatter [tilespmem:s21], [sflag:$0x4], $0x80, v4, vm0, $0xb8;
	[tilespmem:$0x18200] =	vst v63  }
0x111: {  	s1 =	simm.s32 $0xCA00;
	v3 =	vadd.s32 v1, v3  }
0x112: {  	[hbm4b:s7+s3] =	stream.indirect_vreg.scatter [tilespmem:s1], [sflag:$0x4], $0x80, v4, vm0, $0xb8;
	[tilespmem:$0x18200] =	vst v63  }
0x113: {  	s20 =	simm.s32 $0xD200  }
0x114: {  	[hbm4b:s8+s3] =	stream.indirect_vreg.scatter [tilespmem:s20], [sflag:$0x4], $0x80, v4, vm0, $0xb8;
	[tilespmem:$0x18200] =	vst v63  }
0x115: {  	s21 =	simm.s32 $0xDA00  }
0x116: {  	[hbm4b:s2+s3] =	stream.indirect_vreg.scatter [tilespmem:s21], [sflag:$0x4], $0x80, v3, vm0, $0xb8;
	[tilespmem:$0x18200] =	vst v63  }
0x117: {  	s1 =	simm.s32 $0xE200  }
0x118: {  	[hbm4b:s7+s3] =	stream.indirect_vreg.scatter [tilespmem:s1], [sflag:$0x4], $0x80, v3, vm0, $0xb8;
	[tilespmem:$0x18200] =	vst v63  }
0x119: {  	s20 =	simm.s32 $0xEA00  }
0x11a: {  	[hbm4b:s8+s3] =	stream.indirect_vreg.scatter [tilespmem:s20], [sflag:$0x4], $0x80, v3, vm0, $0xb8;
	[tilespmem:$0x18200] =	vst v63  }
0x11b: {  	v3 =	vld [tilespmem:$0x190];
	_ =	sdelay $0x4  }
0x11c: {  	v61 =	vshrl.u32 v3, $0x3  }
0x11d: {  	v4 =	vmul.u32 $0x30, v61  }
0x11e: {  	v3 =	vand.u32 $0x7, v3  }
0x11f: {  	v3 =	vor.u32 v3, v4  }
0x120: {  	v4 =	vperm.xlane v3, v0;
	_ =	sdelay $0x1  }
0x121: {  	v4 =	vadd.s32 v1, v4;
	_ =	sdelay $0x3  }
0x122: {  	s21 =	simm.s32 $0xF200;
	v3 =	vperm.xlane v3, v2  }
0x123: {  	[hbm4b:s2+s3] =	stream.indirect_vreg.scatter [tilespmem:s21], [sflag:$0x4], $0x80, v4, vm0, $0xb8;
	[tilespmem:$0x18200] =	vst v63  }
0x124: {  	s1 =	simm.s32 $0xFA00;
	v3 =	vadd.s32 v1, v3  }
0x125: {  	[hbm4b:s7+s3] =	stream.indirect_vreg.scatter [tilespmem:s1], [sflag:$0x4], $0x80, v4, vm0, $0xb8;
	[tilespmem:$0x18200] =	vst v63  }
0x126: {  	s20 =	simm.s32 $0x10200  }
0x127: {  	[hbm4b:s8+s3] =	stream.indirect_vreg.scatter [tilespmem:s20], [sflag:$0x4], $0x80, v4, vm0, $0xb8;
	[tilespmem:$0x18200] =	vst v63  }
0x128: {  	s21 =	simm.s32 $0x10A00  }
0x129: {  	[hbm4b:s2+s3] =	stream.indirect_vreg.scatter [tilespmem:s21], [sflag:$0x4], $0x80, v3, vm0, $0xb8;
	[tilespmem:$0x18200] =	vst v63  }
0x12a: {  	s1 =	simm.s32 $0x11200  }
0x12b: {  	[hbm4b:s7+s3] =	stream.indirect_vreg.scatter [tilespmem:s1], [sflag:$0x4], $0x80, v3, vm0, $0xb8;
	[tilespmem:$0x18200] =	vst v63  }
0x12c: {  	s20 =	simm.s32 $0x11A00  }
0x12d: {  	[hbm4b:s8+s3] =	stream.indirect_vreg.scatter [tilespmem:s20], [sflag:$0x4], $0x80, v3, vm0, $0xb8;
	[tilespmem:$0x18200] =	vst v63  }
0x12e: {  	v3 =	vld [tilespmem:$0x1A0];
	_ =	sdelay $0x4  }
0x12f: {  	v62 =	vshrl.u32 v3, $0x3  }
0x130: {  	v4 =	vmul.u32 $0x30, v62  }
0x131: {  	v3 =	vand.u32 $0x7, v3  }
0x132: {  	v3 =	vor.u32 v3, v4  }
0x133: {  	v4 =	vperm.xlane v3, v0;
	_ =	sdelay $0x1  }
0x134: {  	v4 =	vadd.s32 v1, v4;
	_ =	sdelay $0x3  }
0x135: {  	s21 =	simm.s32 $0x12200;
	v3 =	vperm.xlane v3, v2  }
0x136: {  	[hbm4b:s2+s3] =	stream.indirect_vreg.scatter [tilespmem:s21], [sflag:$0x4], $0x80, v4, vm0, $0xb8;
	[tilespmem:$0x18200] =	vst v63  }
0x137: {  	s1 =	simm.s32 $0x12A00;
	v3 =	vadd.s32 v1, v3  }
0x138: {  	[hbm4b:s7+s3] =	stream.indirect_vreg.scatter [tilespmem:s1], [sflag:$0x4], $0x80, v4, vm0, $0xb8;
	[tilespmem:$0x18200] =	vst v63  }
0x139: {  	s20 =	simm.s32 $0x13200  }
0x13a: {  	[hbm4b:s8+s3] =	stream.indirect_vreg.scatter [tilespmem:s20], [sflag:$0x4], $0x80, v4, vm0, $0xb8;
	[tilespmem:$0x18200] =	vst v63  }
0x13b: {  	s21 =	simm.s32 $0x13A00  }
0x13c: {  	[hbm4b:s2+s3] =	stream.indirect_vreg.scatter [tilespmem:s21], [sflag:$0x4], $0x80, v3, vm0, $0xb8;
	[tilespmem:$0x18200] =	vst v63  }
0x13d: {  	s1 =	simm.s32 $0x14200  }
0x13e: {  	[hbm4b:s7+s3] =	stream.indirect_vreg.scatter [tilespmem:s1], [sflag:$0x4], $0x80, v3, vm0, $0xb8;
	[tilespmem:$0x18200] =	vst v63  }
0x13f: {  	s20 =	simm.s32 $0x14A00  }
0x140: {  	[hbm4b:s8+s3] =	stream.indirect_vreg.scatter [tilespmem:s20], [sflag:$0x4], $0x80, v3, vm0, $0xb8;
	[tilespmem:$0x18200] =	vst v63  }
0x141: {  	v3 =	vld [tilespmem:$0x1B0];
	_ =	sdelay $0x4  }
0x142: {  	v63 =	vshrl.u32 v3, $0x3  }
0x143: {  	v4 =	vmul.u32 $0x30, v63  }
0x144: {  	v3 =	vand.u32 $0x7, v3  }
0x145: {  	v3 =	vor.u32 v3, v4  }
0x146: {  	v4 =	vperm.xlane v3, v0;
	_ =	sdelay $0x1  }
0x147: {  	v4 =	vadd.s32 v1, v4;
	_ =	sdelay $0x3  }
0x148: {  	s21 =	simm.s32 $0x15200;
	v3 =	vperm.xlane v3, v2  }
0x149: {  	[hbm4b:s2+s3] =	stream.indirect_vreg.scatter [tilespmem:s21], [sflag:$0x4], $0x80, v4, vm0, $0xb8;
	[tilespmem:$0x18200] =	vst v63  }
0x14a: {  	s1 =	simm.s32 $0x15A00;
	v3 =	vadd.s32 v1, v3  }
0x14b: {  	[hbm4b:s7+s3] =	stream.indirect_vreg.scatter [tilespmem:s1], [sflag:$0x4], $0x80, v4, vm0, $0xb8;
	[tilespmem:$0x18200] =	vst v63  }
0x14c: {  	s20 =	simm.s32 $0x16200  }
0x14d: {  	[hbm4b:s8+s3] =	stream.indirect_vreg.scatter [tilespmem:s20], [sflag:$0x4], $0x80, v4, vm0, $0xb8;
	[tilespmem:$0x18200] =	vst v63  }
0x14e: {  	s21 =	simm.s32 $0x16A00  }
0x14f: {  	[hbm4b:s2+s3] =	stream.indirect_vreg.scatter [tilespmem:s21], [sflag:$0x4], $0x80, v3, vm0, $0xb8;
	[tilespmem:$0x18200] =	vst v63  }
0x150: {  	p0 =	sne.s32 s9, $0x1;
	s1 =	simm.s32 $0x17200  }
0x151: {  	[hbm4b:s7+s3] =	stream.indirect_vreg.scatter [tilespmem:s1], [sflag:$0x4], $0x80, v3, vm0, $0xb8;
	[tilespmem:$0x18200] =	vst v63  }
.Ltmp0:
0x152: {  	s20 =	simm.s32 $0x17A00;
	s21 =	simm.s32 $0x4;
	(pc) =	sbr.rel @p0 .LBB2_1-.Ltmp0, $4  }
0x153: {  	[hbm4b:s8+s3] =	stream.indirect_vreg.scatter [tilespmem:s20], [sflag:$0x4], $0x80, v3, vm0, $0xb8;
	[tilespmem:$0x18200] =	vst v63  }
0x154: {  	_ =	swait.ge [sflag:s21], $0xC000  }
0x155: {  	[sflag:s21] =	ssyncset.done $0x0  }
0x156: {  	s9 =	sadd.s32 $0xFFFFFFFF, s9;
	[sflag:s21] =	ssyncadd.s32 $0xFFFF4000  }
0x157: {  	_ =	sfence.sel $0x180000  }
0x158: {  	[bflag:$0x0] =	sbarrier.arrive $0xFFFF  }
0x159: {  	_ =	strace $0x9000004D  }
0x15a: {  	s0 =	stileid.u32;
	[bflag:$0x2] =	sbarrier.arrive $0xFFFF  }
0x15b: {  	p0 =	sne.s32 s0, $0x0;
	s0 =	rddreg [dreg:$0x2]  }
0x15c: {  	s0 =	sadd.s32 @!p0 $0x100000, s0  }
0x15d: {  	[sflag:s0] =	ssyncadd.tile.s32 @!p0 $0x1;
	_ =	shalt  }
.Lfunc_end2:
_tile_overlayer_lowered:
.L_overlay_start_2:
0x15e: {  	(tag) =	ssettag $0x2  }
0x15f: {  	s0 =	rddreg [dreg:$0x0];
	s2 =	stileid.u32  }
0x160: {  	s1 =	rddreg [dreg:$0x1];
	p0 =	sne.s32 s2, $0x0  }
0x161: {  	s3 =	rddreg [dreg:$0x2];
	[bflag:$0x3] =	sbarrier.arrive $0xFFFF;
	s2 =	simm.s32 @!p0 $0x1C05  }
0x162: {  	[timem:s3], [sflag:s2] =	dma.local @!p0 [hbm:s0], s1  }
0x163: {  	s0 =	simm.s32 @!p0 $0x5  }
0x164: {  	_ =	swait.ge @!p0 [sflag:s0], s1  }
0x165: {  	s1 =	ssub.s32 @!p0 $0x0, s1;
	[sflag:s0] =	ssyncset.done @!p0 $0x0  }
0x166: {  	[sflag:s0] =	ssyncadd.s32 @!p0 s1  }
0x167: {  	[bflag:$0x3] =	sbarrier.arrive $0xFFFF  }
0x168: {  	_ =	shalt  }

</sc_bundles>
